<compile_context>
chip_gen: v7x
topology: tpu7x:2x2x1
jax: 0.10.2.dev20260603
libtpu: 0.0.44.dev20260713+nightly
codegen_flags: <defaults>
</compile_context>

<pallas_src>
import functools

import jax
import jax.numpy as jnp
from jax import lax
from jax.experimental import pallas as pl
from jax.experimental.pallas import tpu as pltpu
from jax.experimental.pallas import tpu_sc as plsc

N = 1000
B = 16384
NC = 1
NS = 16
NW = NC * NS
CHUNK = B // NW
VL = 16
STRIPE = (N * N) // NS // 8 * 8
TAIL = N * N - NS * STRIPE


def _rowstats_kernel(w_A_ref, w_B_A_ref, g_ref):
    wa = w_A_ref[...]
    lse_a = jnp.log(jnp.sum(jnp.exp(wa)))
    wba = w_B_A_ref[...]
    lse_b = jnp.log(jnp.sum(jnp.exp(wba), axis=1))
    g_ref[...] = wa - lse_a - lse_b


def _make_sc_gather():
    mesh = plsc.VectorSubcoreMesh(core_axis_name="c", subcore_axis_name="s", num_cores=1)

    @functools.partial(
        pl.kernel,
        mesh=mesh,
        out_type=jax.ShapeDtypeStruct((B,), jnp.float32),
        scratch_types=[
            pltpu.VMEM((CHUNK,), jnp.int32),
            pltpu.VMEM((CHUNK,), jnp.int32),
            pltpu.VMEM((CHUNK,), jnp.int32),
            pltpu.VMEM((CHUNK,), jnp.float32),
            pltpu.VMEM((CHUNK,), jnp.float32),
            pltpu.VMEM((STRIPE // 2,), jnp.float32),
            pltpu.VMEM((N,), jnp.float32),
            pltpu.VMEM((TAIL,), jnp.float32),
            pltpu.VMEM_SHARED((N + N * N,), jnp.float32),
            pltpu.SemaphoreType.DMA,
            pltpu.SemaphoreType.DMA,
            pltpu.SemaphoreType.DMA,
            pltpu.SemaphoreType.DMA,
            pltpu.SemaphoreType.DMA,
            pltpu.SemaphoreType.DMA,
        ],
    )
    def sc_gather(ab_hbm, g_hbm, wflat_hbm, out_hbm,
                  a_v, b_v, idx_v, g_v, w_v, stg_v, gb_v, tl_v, spm,
                  sem_g, sem_w, sem_s, sem_s2, sem_p, sem_p2):
        sid = lax.axis_index("s")
        wid = sid * NC + lax.axis_index("c")
        base = wid * CHUNK
        Q = STRIPE // 4
        off = sid * STRIPE
        cpA = pltpu.async_copy(
            wflat_hbm.at[pl.ds(off, Q)], stg_v.at[pl.ds(0, Q)], sem_s)
        cpB = pltpu.async_copy(
            wflat_hbm.at[pl.ds(off + Q, Q)], stg_v.at[pl.ds(Q, Q)], sem_s2)
        cpA.wait()
        pA = pltpu.async_copy(
            stg_v.at[pl.ds(0, Q)], spm.at[pl.ds(N + off, Q)], sem_p)
        cpB.wait()
        pB = pltpu.async_copy(
            stg_v.at[pl.ds(Q, Q)], spm.at[pl.ds(N + off + Q, Q)], sem_p2)
        pA.wait()
        cpA2 = pltpu.async_copy(
            wflat_hbm.at[pl.ds(off + 2 * Q, Q)], stg_v.at[pl.ds(0, Q)], sem_s)
        pB.wait()
        cpB2 = pltpu.async_copy(
            wflat_hbm.at[pl.ds(off + 3 * Q, Q)], stg_v.at[pl.ds(Q, Q)], sem_s2)
        cpA2.wait()
        pA2 = pltpu.async_copy(
            stg_v.at[pl.ds(0, Q)], spm.at[pl.ds(N + off + 2 * Q, Q)], sem_p)
        cpB2.wait()
        pB2 = pltpu.async_copy(
            stg_v.at[pl.ds(Q, Q)], spm.at[pl.ds(N + off + 3 * Q, Q)], sem_p2)
        pltpu.sync_copy(ab_hbm.at[pl.ds(base, CHUNK)], a_v)
        pltpu.sync_copy(ab_hbm.at[pl.ds(B + base, CHUNK)], b_v)

        def flat_body(j, carry):
            a16 = a_v[pl.ds(j * VL, VL)]
            b16 = b_v[pl.ds(j * VL, VL)]
            idx_v[pl.ds(j * VL, VL)] = a16 * N + b16 + N
            return carry

        lax.fori_loop(0, CHUNK // VL, flat_body, 0)
        pA2.wait()
        pB2.wait()

        @pl.when(sid == 0)
        def _():
            pltpu.sync_copy(g_hbm, gb_v)
            pltpu.sync_copy(gb_v, spm.at[pl.ds(0, N)])

        @pl.when(sid == 1)
        def _():
            pltpu.sync_copy(wflat_hbm.at[pl.ds(NS * STRIPE, TAIL)], tl_v)
            pltpu.sync_copy(tl_v, spm.at[pl.ds(N + NS * STRIPE, TAIL)])

        plsc.subcore_barrier()
        HC = CHUNK // 2
        cp_g1 = pltpu.async_copy(
            spm.at[a_v.at[pl.ds(0, HC)]], g_v.at[pl.ds(0, HC)], sem_g)
        cp_w1 = pltpu.async_copy(
            spm.at[idx_v.at[pl.ds(0, HC)]], w_v.at[pl.ds(0, HC)], sem_w)
        cp_g2 = pltpu.async_copy(
            spm.at[a_v.at[pl.ds(HC, HC)]], g_v.at[pl.ds(HC, HC)], sem_p)
        cp_w2 = pltpu.async_copy(
            spm.at[idx_v.at[pl.ds(HC, HC)]], w_v.at[pl.ds(HC, HC)], sem_p2)
        cp_g1.wait()
        cp_w1.wait()

        def add_body(j, carry):
            g_v[pl.ds(j * VL, VL)] = g_v[pl.ds(j * VL, VL)] + w_v[pl.ds(j * VL, VL)]
            return carry

        lax.fori_loop(0, HC // VL, add_body, 0)
        cp_o1 = pltpu.async_copy(
            g_v.at[pl.ds(0, HC)], out_hbm.at[pl.ds(base, HC)], sem_s)
        cp_g2.wait()
        cp_w2.wait()

        def add_body2(j, carry):
            k = HC + j * VL
            g_v[pl.ds(k, VL)] = g_v[pl.ds(k, VL)] + w_v[pl.ds(k, VL)]
            return carry

        lax.fori_loop(0, HC // VL, add_body2, 0)
        cp_o2 = pltpu.async_copy(
            g_v.at[pl.ds(HC, HC)], out_hbm.at[pl.ds(base + HC, HC)], sem_s2)
        cp_o1.wait()
        cp_o2.wait()

    return sc_gather


_sc_gather = _make_sc_gather()


@jax.jit
def kernel(inputs, w_A, w_B_A):
    g = pl.pallas_call(
        _rowstats_kernel,
        out_shape=jax.ShapeDtypeStruct((N,), jnp.float32),
    )(w_A, w_B_A)
    ab = inputs.astype(jnp.int32).T.reshape(2 * B)
    wflat = w_B_A.reshape(N * N)
    return _sc_gather(ab, g, wflat)

# --- scband reference (transcript-rebuilt; emitter-appended) ---
"""Pipeline reference for scband-model1-12687333392537 (READ-ONLY COPY).

The authoritative reference and input builder live on the scoring server;
editing this copy changes nothing except your own understanding.
"""

import jax, jax.numpy as jnp
import numpy as np

N = 1000
B = 16384

def setup_inputs(seed: int = 0) -> dict:
    key = jax.random.key(seed)
    k1, k2, k3 = jax.random.split(key, 3)
    inputs = jax.random.randint(k1, (B, 2), 0, N, dtype=jnp.int64)
    # learned parameters: marginal logits w_A [N], conditional logits w_B_A [N, N]
    w_A = jax.random.normal(k2, (N,), dtype=jnp.float32)
    w_B_A = jax.random.normal(k3, (N, N), dtype=jnp.float32)
    return {"inputs": inputs, "w_A": w_A, "w_B_A": w_B_A}

def reference(inputs, w_A, w_B_A):
    # split into A and B index columns (torch.split(inputs, 1, dim=1) + squeeze)
    inputs_A = inputs[:, 0]
    inputs_B = inputs[:, 1]
    # Marginal: log p_A(a) = log_softmax(w_A)[a]
    log_pi_A = jax.nn.log_softmax(w_A)
    logp_A = jnp.take(log_pi_A, inputs_A, axis=0)
    # Conditional: log p_B|A(b|a) = log_softmax(w_B_A, axis=1)[a, b]
    log_pi_B_A = jax.nn.log_softmax(w_B_A, axis=1)
    rows = jnp.take(log_pi_B_A, inputs_A, axis=0)  # [B, N]
    logp_B_A = jnp.take_along_axis(rows, inputs_B[:, None], axis=1)[:, 0]
    return logp_A + logp_B_A

if __name__ == "__main__":
    import jax
    _d = setup_inputs()
    print(jax.jit(kernel)(*tuple(_d.values())))

</pallas_src>

<mosaic_0001>
#map = affine_map<(d0, d1) -> (0)>
module attributes {stable_mosaic.version = 14 : i64} {
  func.func @sc_gather(%arg0: i32, %arg1: i32, %arg2: memref<32768xi32, #tpu.memory_space<hbm>>, %arg3: memref<1000xf32, #tpu.memory_space<hbm>>, %arg4: memref<1000000xf32, #tpu.memory_space<hbm>>, %arg5: memref<16384xf32, #tpu.memory_space<hbm>>, %arg6: memref<1024xi32, #tpu.memory_space<vmem>>, %arg7: memref<1024xi32, #tpu.memory_space<vmem>>, %arg8: memref<1024xi32, #tpu.memory_space<vmem>>, %arg9: memref<1024xf32, #tpu.memory_space<vmem>>, %arg10: memref<1024xf32, #tpu.memory_space<vmem>>, %arg11: memref<31248xf32, #tpu.memory_space<vmem>>, %arg12: memref<1000xf32, #tpu.memory_space<vmem>>, %arg13: memref<64xf32, #tpu.memory_space<vmem>>, %arg14: memref<1001000xf32, #tpu.memory_space<vmem_shared>>, %arg15: memref<!tpu.dma_semaphore, #tpu.memory_space<semaphore_mem>>, %arg16: memref<!tpu.dma_semaphore, #tpu.memory_space<semaphore_mem>>, %arg17: memref<!tpu.dma_semaphore, #tpu.memory_space<semaphore_mem>>, %arg18: memref<!tpu.dma_semaphore, #tpu.memory_space<semaphore_mem>>, %arg19: memref<!tpu.dma_semaphore, #tpu.memory_space<semaphore_mem>>, %arg20: memref<!tpu.dma_semaphore, #tpu.memory_space<semaphore_mem>>) attributes {dimension_semantics = [#tpu.dimension_semantics<core_parallel>, #tpu.dimension_semantics<subcore_parallel>], iteration_bounds = array<i64: 1, 16>, scalar_prefetch = 0 : i64, scratch_operands = 15 : i64, tpu.core_type = #tpu.core_type<sc_vector_subcore>, window_params = [{transform_indices = #map}, {transform_indices = #map}, {transform_indices = #map}, {transform_indices = #map}]} {
    %mul3A = arith.constant 1 : i32
    %mul3A_0 = arith.muli %arg1, %mul3A : i32
    %add3A = arith.addi %mul3A_0, %arg0 : i32
    %mul3A_1 = arith.constant 1024 : i32
    %mul3A_2 = arith.muli %add3A, %mul3A_1 : i32
    %mul3A_3 = arith.constant 62496 : i32
    %mul3A_4 = arith.muli %arg1, %mul3A_3 : i32
    %dma_start3A = arith.constant 0 : i32
    %dma_start3A_5 = tpu.memref_slice %arg11[%dma_start3A] : memref<31248xf32, #tpu.memory_space<vmem>> -> memref<15624xf32, #tpu.memory_space<vmem>>
    %dma_start3A_6 = tpu.memref_slice %arg4[%mul3A_4] : memref<1000000xf32, #tpu.memory_space<hbm>> -> memref<15624xf32, #tpu.memory_space<hbm>>
    %dma_start3A_7 = arith.constant 0 : i32
    %dma_start3A_8 = tpu.memref_slice %arg11[%dma_start3A_7] : memref<31248xf32, #tpu.memory_space<vmem>> -> memref<15624xf32, #tpu.memory_space<vmem>>
    %dma_start3A_9 = tpu.memref_slice %arg4[%mul3A_4] : memref<1000000xf32, #tpu.memory_space<hbm>> -> memref<15624xf32, #tpu.memory_space<hbm>>
    tpu.enqueue_dma source(%dma_start3A_9 : memref<15624xf32, #tpu.memory_space<hbm>>) target(%dma_start3A_8 : memref<15624xf32, #tpu.memory_space<vmem>>) target_semaphore(%arg17 : memref<!tpu.dma_semaphore, #tpu.memory_space<semaphore_mem>>)
    %add3A_10 = arith.constant 15624 : i32
    %add3A_11 = arith.addi %mul3A_4, %add3A_10 : i32
    %dma_start3A_12 = arith.constant 15624 : i32
    %dma_start3A_13 = tpu.memref_slice %arg11[%dma_start3A_12] : memref<31248xf32, #tpu.memory_space<vmem>> -> memref<15624xf32, #tpu.memory_space<vmem>>
    %dma_start3A_14 = tpu.memref_slice %arg4[%add3A_11] : memref<1000000xf32, #tpu.memory_space<hbm>> -> memref<15624xf32, #tpu.memory_space<hbm>>
    %dma_start3A_15 = arith.constant 15624 : i32
    %dma_start3A_16 = tpu.memref_slice %arg11[%dma_start3A_15] : memref<31248xf32, #tpu.memory_space<vmem>> -> memref<15624xf32, #tpu.memory_space<vmem>>
    %dma_start3A_17 = tpu.memref_slice %arg4[%add3A_11] : memref<1000000xf32, #tpu.memory_space<hbm>> -> memref<15624xf32, #tpu.memory_space<hbm>>
    tpu.enqueue_dma source(%dma_start3A_17 : memref<15624xf32, #tpu.memory_space<hbm>>) target(%dma_start3A_16 : memref<15624xf32, #tpu.memory_space<vmem>>) target_semaphore(%arg18 : memref<!tpu.dma_semaphore, #tpu.memory_space<semaphore_mem>>)
    %dma_wait3A = arith.constant 0 : i32
    %dma_wait3A_18 = tpu.memref_slice %arg11[%dma_wait3A] : memref<31248xf32, #tpu.memory_space<vmem>> -> memref<15624xf32, #tpu.memory_space<vmem>>
    %dma_wait3A_19 = tpu.memref_slice %arg4[%mul3A_4] : memref<1000000xf32, #tpu.memory_space<hbm>> -> memref<15624xf32, #tpu.memory_space<hbm>>
    %dma_wait3A_20 = arith.constant 0 : i32
    %dma_wait3A_21 = tpu.memref_slice %arg11[%dma_wait3A_20] : memref<31248xf32, #tpu.memory_space<vmem>> -> memref<15624xf32, #tpu.memory_space<vmem>>
    %dma_wait3A_22 = tpu.memref_slice %arg4[%mul3A_4] : memref<1000000xf32, #tpu.memory_space<hbm>> -> memref<15624xf32, #tpu.memory_space<hbm>>
    tpu.wait_dma2 semaphore(%arg17 : memref<!tpu.dma_semaphore, #tpu.memory_space<semaphore_mem>>) src(%dma_wait3A_22 : memref<15624xf32, #tpu.memory_space<hbm>>) dst(%dma_wait3A_21 : memref<15624xf32, #tpu.memory_space<vmem>>)
    %add3A_23 = arith.constant 1000 : i32
    %add3A_24 = arith.addi %add3A_23, %mul3A_4 : i32
    %dma_start3A_25 = arith.constant 0 : i32
    %dma_start3A_26 = tpu.memref_slice %arg11[%dma_start3A_25] : memref<31248xf32, #tpu.memory_space<vmem>> -> memref<15624xf32, #tpu.memory_space<vmem>>
    %dma_start3A_27 = tpu.memref_slice %arg14[%add3A_24] : memref<1001000xf32, #tpu.memory_space<vmem_shared>> -> memref<15624xf32, #tpu.memory_space<vmem_shared>>
    %dma_start3A_28 = tpu.memref_slice %arg14[%add3A_24] : memref<1001000xf32, #tpu.memory_space<vmem_shared>> -> memref<15624xf32, #tpu.memory_space<vmem_shared>>
    %dma_start3A_29 = arith.constant 0 : i32
    %dma_start3A_30 = tpu.memref_slice %arg11[%dma_start3A_29] : memref<31248xf32, #tpu.memory_space<vmem>> -> memref<15624xf32, #tpu.memory_space<vmem>>
    tpu.enqueue_dma source(%dma_start3A_30 : memref<15624xf32, #tpu.memory_space<vmem>>) target(%dma_start3A_28 : memref<15624xf32, #tpu.memory_space<vmem_shared>>) target_semaphore(%arg19 : memref<!tpu.dma_semaphore, #tpu.memory_space<semaphore_mem>>)
    %dma_wait3A_31 = arith.constant 15624 : i32
    %dma_wait3A_32 = tpu.memref_slice %arg11[%dma_wait3A_31] : memref<31248xf32, #tpu.memory_space<vmem>> -> memref<15624xf32, #tpu.memory_space<vmem>>
    %dma_wait3A_33 = tpu.memref_slice %arg4[%add3A_11] : memref<1000000xf32, #tpu.memory_space<hbm>> -> memref<15624xf32, #tpu.memory_space<hbm>>
    %dma_wait3A_34 = arith.constant 15624 : i32
    %dma_wait3A_35 = tpu.memref_slice %arg11[%dma_wait3A_34] : memref<31248xf32, #tpu.memory_space<vmem>> -> memref<15624xf32, #tpu.memory_space<vmem>>
    %dma_wait3A_36 = tpu.memref_slice %arg4[%add3A_11] : memref<1000000xf32, #tpu.memory_space<hbm>> -> memref<15624xf32, #tpu.memory_space<hbm>>
    tpu.wait_dma2 semaphore(%arg18 : memref<!tpu.dma_semaphore, #tpu.memory_space<semaphore_mem>>) src(%dma_wait3A_36 : memref<15624xf32, #tpu.memory_space<hbm>>) dst(%dma_wait3A_35 : memref<15624xf32, #tpu.memory_space<vmem>>)
    %add3A_37 = arith.constant 1000 : i32
    %add3A_38 = arith.addi %add3A_37, %mul3A_4 : i32
    %add3A_39 = arith.constant 15624 : i32
    %add3A_40 = arith.addi %add3A_38, %add3A_39 : i32
    %dma_start3A_41 = arith.constant 15624 : i32
    %dma_start3A_42 = tpu.memref_slice %arg11[%dma_start3A_41] : memref<31248xf32, #tpu.memory_space<vmem>> -> memref<15624xf32, #tpu.memory_space<vmem>>
    %dma_start3A_43 = tpu.memref_slice %arg14[%add3A_40] : memref<1001000xf32, #tpu.memory_space<vmem_shared>> -> memref<15624xf32, #tpu.memory_space<vmem_shared>>
    %dma_start3A_44 = tpu.memref_slice %arg14[%add3A_40] : memref<1001000xf32, #tpu.memory_space<vmem_shared>> -> memref<15624xf32, #tpu.memory_space<vmem_shared>>
    %dma_start3A_45 = arith.constant 15624 : i32
    %dma_start3A_46 = tpu.memref_slice %arg11[%dma_start3A_45] : memref<31248xf32, #tpu.memory_space<vmem>> -> memref<15624xf32, #tpu.memory_space<vmem>>
    tpu.enqueue_dma source(%dma_start3A_46 : memref<15624xf32, #tpu.memory_space<vmem>>) target(%dma_start3A_44 : memref<15624xf32, #tpu.memory_space<vmem_shared>>) target_semaphore(%arg20 : memref<!tpu.dma_semaphore, #tpu.memory_space<semaphore_mem>>)
    %dma_wait3A_47 = arith.constant 0 : i32
    %dma_wait3A_48 = tpu.memref_slice %arg11[%dma_wait3A_47] : memref<31248xf32, #tpu.memory_space<vmem>> -> memref<15624xf32, #tpu.memory_space<vmem>>
    %dma_wait3A_49 = tpu.memref_slice %arg14[%add3A_24] : memref<1001000xf32, #tpu.memory_space<vmem_shared>> -> memref<15624xf32, #tpu.memory_space<vmem_shared>>
    %dma_wait3A_50 = tpu.memref_slice %arg14[%add3A_24] : memref<1001000xf32, #tpu.memory_space<vmem_shared>> -> memref<15624xf32, #tpu.memory_space<vmem_shared>>
    %dma_wait3A_51 = arith.constant 0 : i32
    %dma_wait3A_52 = tpu.memref_slice %arg11[%dma_wait3A_51] : memref<31248xf32, #tpu.memory_space<vmem>> -> memref<15624xf32, #tpu.memory_space<vmem>>
    tpu.wait_dma2 semaphore(%arg19 : memref<!tpu.dma_semaphore, #tpu.memory_space<semaphore_mem>>) src(%dma_wait3A_52 : memref<15624xf32, #tpu.memory_space<vmem>>) dst(%dma_wait3A_50 : memref<15624xf32, #tpu.memory_space<vmem_shared>>)
    %add3A_53 = arith.constant 31248 : i32
    %add3A_54 = arith.addi %mul3A_4, %add3A_53 : i32
    %dma_start3A_55 = arith.constant 0 : i32
    %dma_start3A_56 = tpu.memref_slice %arg11[%dma_start3A_55] : memref<31248xf32, #tpu.memory_space<vmem>> -> memref<15624xf32, #tpu.memory_space<vmem>>
    %dma_start3A_57 = tpu.memref_slice %arg4[%add3A_54] : memref<1000000xf32, #tpu.memory_space<hbm>> -> memref<15624xf32, #tpu.memory_space<hbm>>
    %dma_start3A_58 = arith.constant 0 : i32
    %dma_start3A_59 = tpu.memref_slice %arg11[%dma_start3A_58] : memref<31248xf32, #tpu.memory_space<vmem>> -> memref<15624xf32, #tpu.memory_space<vmem>>
    %dma_start3A_60 = tpu.memref_slice %arg4[%add3A_54] : memref<1000000xf32, #tpu.memory_space<hbm>> -> memref<15624xf32, #tpu.memory_space<hbm>>
    tpu.enqueue_dma source(%dma_start3A_60 : memref<15624xf32, #tpu.memory_space<hbm>>) target(%dma_start3A_59 : memref<15624xf32, #tpu.memory_space<vmem>>) target_semaphore(%arg17 : memref<!tpu.dma_semaphore, #tpu.memory_space<semaphore_mem>>)
    %dma_wait3A_61 = arith.constant 15624 : i32
    %dma_wait3A_62 = tpu.memref_slice %arg11[%dma_wait3A_61] : memref<31248xf32, #tpu.memory_space<vmem>> -> memref<15624xf32, #tpu.memory_space<vmem>>
    %dma_wait3A_63 = tpu.memref_slice %arg14[%add3A_40] : memref<1001000xf32, #tpu.memory_space<vmem_shared>> -> memref<15624xf32, #tpu.memory_space<vmem_shared>>
    %dma_wait3A_64 = tpu.memref_slice %arg14[%add3A_40] : memref<1001000xf32, #tpu.memory_space<vmem_shared>> -> memref<15624xf32, #tpu.memory_space<vmem_shared>>
    %dma_wait3A_65 = arith.constant 15624 : i32
    %dma_wait3A_66 = tpu.memref_slice %arg11[%dma_wait3A_65] : memref<31248xf32, #tpu.memory_space<vmem>> -> memref<15624xf32, #tpu.memory_space<vmem>>
    tpu.wait_dma2 semaphore(%arg20 : memref<!tpu.dma_semaphore, #tpu.memory_space<semaphore_mem>>) src(%dma_wait3A_66 : memref<15624xf32, #tpu.memory_space<vmem>>) dst(%dma_wait3A_64 : memref<15624xf32, #tpu.memory_space<vmem_shared>>)
    %add3A_67 = arith.constant 46872 : i32
    %add3A_68 = arith.addi %mul3A_4, %add3A_67 : i32
    %dma_start3A_69 = arith.constant 15624 : i32
    %dma_start3A_70 = tpu.memref_slice %arg11[%dma_start3A_69] : memref<31248xf32, #tpu.memory_space<vmem>> -> memref<15624xf32, #tpu.memory_space<vmem>>
    %dma_start3A_71 = tpu.memref_slice %arg4[%add3A_68] : memref<1000000xf32, #tpu.memory_space<hbm>> -> memref<15624xf32, #tpu.memory_space<hbm>>
    %dma_start3A_72 = arith.constant 15624 : i32
    %dma_start3A_73 = tpu.memref_slice %arg11[%dma_start3A_72] : memref<31248xf32, #tpu.memory_space<vmem>> -> memref<15624xf32, #tpu.memory_space<vmem>>
    %dma_start3A_74 = tpu.memref_slice %arg4[%add3A_68] : memref<1000000xf32, #tpu.memory_space<hbm>> -> memref<15624xf32, #tpu.memory_space<hbm>>
    tpu.enqueue_dma source(%dma_start3A_74 : memref<15624xf32, #tpu.memory_space<hbm>>) target(%dma_start3A_73 : memref<15624xf32, #tpu.memory_space<vmem>>) target_semaphore(%arg18 : memref<!tpu.dma_semaphore, #tpu.memory_space<semaphore_mem>>)
    %dma_wait3A_75 = arith.constant 0 : i32
    %dma_wait3A_76 = tpu.memref_slice %arg11[%dma_wait3A_75] : memref<31248xf32, #tpu.memory_space<vmem>> -> memref<15624xf32, #tpu.memory_space<vmem>>
    %dma_wait3A_77 = tpu.memref_slice %arg4[%add3A_54] : memref<1000000xf32, #tpu.memory_space<hbm>> -> memref<15624xf32, #tpu.memory_space<hbm>>
    %dma_wait3A_78 = arith.constant 0 : i32
    %dma_wait3A_79 = tpu.memref_slice %arg11[%dma_wait3A_78] : memref<31248xf32, #tpu.memory_space<vmem>> -> memref<15624xf32, #tpu.memory_space<vmem>>
    %dma_wait3A_80 = tpu.memref_slice %arg4[%add3A_54] : memref<1000000xf32, #tpu.memory_space<hbm>> -> memref<15624xf32, #tpu.memory_space<hbm>>
    tpu.wait_dma2 semaphore(%arg17 : memref<!tpu.dma_semaphore, #tpu.memory_space<semaphore_mem>>) src(%dma_wait3A_80 : memref<15624xf32, #tpu.memory_space<hbm>>) dst(%dma_wait3A_79 : memref<15624xf32, #tpu.memory_space<vmem>>)
    %add3A_81 = arith.constant 1000 : i32
    %add3A_82 = arith.addi %add3A_81, %mul3A_4 : i32
    %add3A_83 = arith.constant 31248 : i32
    %add3A_84 = arith.addi %add3A_82, %add3A_83 : i32
    %dma_start3A_85 = arith.constant 0 : i32
    %dma_start3A_86 = tpu.memref_slice %arg11[%dma_start3A_85] : memref<31248xf32, #tpu.memory_space<vmem>> -> memref<15624xf32, #tpu.memory_space<vmem>>
    %dma_start3A_87 = tpu.memref_slice %arg14[%add3A_84] : memref<1001000xf32, #tpu.memory_space<vmem_shared>> -> memref<15624xf32, #tpu.memory_space<vmem_shared>>
    %dma_start3A_88 = tpu.memref_slice %arg14[%add3A_84] : memref<1001000xf32, #tpu.memory_space<vmem_shared>> -> memref<15624xf32, #tpu.memory_space<vmem_shared>>
    %dma_start3A_89 = arith.constant 0 : i32
    %dma_start3A_90 = tpu.memref_slice %arg11[%dma_start3A_89] : memref<31248xf32, #tpu.memory_space<vmem>> -> memref<15624xf32, #tpu.memory_space<vmem>>
    tpu.enqueue_dma source(%dma_start3A_90 : memref<15624xf32, #tpu.memory_space<vmem>>) target(%dma_start3A_88 : memref<15624xf32, #tpu.memory_space<vmem_shared>>) target_semaphore(%arg19 : memref<!tpu.dma_semaphore, #tpu.memory_space<semaphore_mem>>)
    %dma_wait3A_91 = arith.constant 15624 : i32
    %dma_wait3A_92 = tpu.memref_slice %arg11[%dma_wait3A_91] : memref<31248xf32, #tpu.memory_space<vmem>> -> memref<15624xf32, #tpu.memory_space<vmem>>
    %dma_wait3A_93 = tpu.memref_slice %arg4[%add3A_68] : memref<1000000xf32, #tpu.memory_space<hbm>> -> memref<15624xf32, #tpu.memory_space<hbm>>
    %dma_wait3A_94 = arith.constant 15624 : i32
    %dma_wait3A_95 = tpu.memref_slice %arg11[%dma_wait3A_94] : memref<31248xf32, #tpu.memory_space<vmem>> -> memref<15624xf32, #tpu.memory_space<vmem>>
    %dma_wait3A_96 = tpu.memref_slice %arg4[%add3A_68] : memref<1000000xf32, #tpu.memory_space<hbm>> -> memref<15624xf32, #tpu.memory_space<hbm>>
    tpu.wait_dma2 semaphore(%arg18 : memref<!tpu.dma_semaphore, #tpu.memory_space<semaphore_mem>>) src(%dma_wait3A_96 : memref<15624xf32, #tpu.memory_space<hbm>>) dst(%dma_wait3A_95 : memref<15624xf32, #tpu.memory_space<vmem>>)
    %add3A_97 = arith.constant 1000 : i32
    %add3A_98 = arith.addi %add3A_97, %mul3A_4 : i32
    %add3A_99 = arith.constant 46872 : i32
    %add3A_100 = arith.addi %add3A_98, %add3A_99 : i32
    %dma_start3A_101 = arith.constant 15624 : i32
    %dma_start3A_102 = tpu.memref_slice %arg11[%dma_start3A_101] : memref<31248xf32, #tpu.memory_space<vmem>> -> memref<15624xf32, #tpu.memory_space<vmem>>
    %dma_start3A_103 = tpu.memref_slice %arg14[%add3A_100] : memref<1001000xf32, #tpu.memory_space<vmem_shared>> -> memref<15624xf32, #tpu.memory_space<vmem_shared>>
    %dma_start3A_104 = tpu.memref_slice %arg14[%add3A_100] : memref<1001000xf32, #tpu.memory_space<vmem_shared>> -> memref<15624xf32, #tpu.memory_space<vmem_shared>>
    %dma_start3A_105 = arith.constant 15624 : i32
    %dma_start3A_106 = tpu.memref_slice %arg11[%dma_start3A_105] : memref<31248xf32, #tpu.memory_space<vmem>> -> memref<15624xf32, #tpu.memory_space<vmem>>
    tpu.enqueue_dma source(%dma_start3A_106 : memref<15624xf32, #tpu.memory_space<vmem>>) target(%dma_start3A_104 : memref<15624xf32, #tpu.memory_space<vmem_shared>>) target_semaphore(%arg20 : memref<!tpu.dma_semaphore, #tpu.memory_space<semaphore_mem>>)
    "tpu.region"() ({
      %run_scoped3A = tpu.sem_alloc : memref<!tpu.dma_semaphore, #tpu.memory_space<semaphore_mem>>
      %dma_start3A_219 = tpu.memref_slice %arg2[%mul3A_2] : memref<32768xi32, #tpu.memory_space<hbm>> -> memref<1024xi32, #tpu.memory_space<hbm>>
      %dma_start3A_220 = tpu.memref_slice %arg2[%mul3A_2] : memref<32768xi32, #tpu.memory_space<hbm>> -> memref<1024xi32, #tpu.memory_space<hbm>>
      tpu.enqueue_dma source(%dma_start3A_220 : memref<1024xi32, #tpu.memory_space<hbm>>) target(%arg6 : memref<1024xi32, #tpu.memory_space<vmem>>) target_semaphore(%run_scoped3A : memref<!tpu.dma_semaphore, #tpu.memory_space<semaphore_mem>>)
      %dma_wait3A_221 = tpu.memref_slice %arg2[%mul3A_2] : memref<32768xi32, #tpu.memory_space<hbm>> -> memref<1024xi32, #tpu.memory_space<hbm>>
      %dma_wait3A_222 = tpu.memref_slice %arg2[%mul3A_2] : memref<32768xi32, #tpu.memory_space<hbm>> -> memref<1024xi32, #tpu.memory_space<hbm>>
      tpu.wait_dma2 semaphore(%run_scoped3A : memref<!tpu.dma_semaphore, #tpu.memory_space<semaphore_mem>>) src(%dma_wait3A_222 : memref<1024xi32, #tpu.memory_space<hbm>>) dst(%arg6 : memref<1024xi32, #tpu.memory_space<vmem>>)
      tpu.yield
    }) : () -> ()
    %add3A_107 = arith.constant 16384 : i32
    %add3A_108 = arith.addi %add3A_107, %mul3A_2 : i32
    "tpu.region"() ({
      %run_scoped3A = tpu.sem_alloc : memref<!tpu.dma_semaphore, #tpu.memory_space<semaphore_mem>>
      %dma_start3A_219 = tpu.memref_slice %arg2[%add3A_108] : memref<32768xi32, #tpu.memory_space<hbm>> -> memref<1024xi32, #tpu.memory_space<hbm>>
      %dma_start3A_220 = tpu.memref_slice %arg2[%add3A_108] : memref<32768xi32, #tpu.memory_space<hbm>> -> memref<1024xi32, #tpu.memory_space<hbm>>
      tpu.enqueue_dma source(%dma_start3A_220 : memref<1024xi32, #tpu.memory_space<hbm>>) target(%arg7 : memref<1024xi32, #tpu.memory_space<vmem>>) target_semaphore(%run_scoped3A : memref<!tpu.dma_semaphore, #tpu.memory_space<semaphore_mem>>)
      %dma_wait3A_221 = tpu.memref_slice %arg2[%add3A_108] : memref<32768xi32, #tpu.memory_space<hbm>> -> memref<1024xi32, #tpu.memory_space<hbm>>
      %dma_wait3A_222 = tpu.memref_slice %arg2[%add3A_108] : memref<32768xi32, #tpu.memory_space<hbm>> -> memref<1024xi32, #tpu.memory_space<hbm>>
      tpu.wait_dma2 semaphore(%run_scoped3A : memref<!tpu.dma_semaphore, #tpu.memory_space<semaphore_mem>>) src(%dma_wait3A_222 : memref<1024xi32, #tpu.memory_space<hbm>>) dst(%arg7 : memref<1024xi32, #tpu.memory_space<vmem>>)
      tpu.yield
    }) : () -> ()
    %scan3A = arith.constant 0 : i32
    %scan3A_109 = arith.constant 0 : i32
    %scan3A_110 = arith.constant 64 : i32
    %scan3A_111 = arith.addi %scan3A_109, %scan3A_110 : i32
    %scan3A_112 = arith.constant 1 : i32
    scf.for %scan3A_219 = %scan3A_109 to %scan3A_111 step %scan3A_112  : i32 {
      %mul3A_220 = arith.constant 16 : i32
      %mul3A_221 = arith.muli %scan3A_219, %mul3A_220 : i32
      %get3A = arith.index_cast %mul3A_221 : i32 to index
      %get3A_222 = tpu.vector_load %arg6[%get3A] {strides = array<i32>} : memref<1024xi32, #tpu.memory_space<vmem>>, vector<16xi32>,
      %get3A_223 = vector.shape_cast %get3A_222 : vector<16xi32> to vector<16xi32>
      %mul3A_224 = arith.constant 16 : i32
      %mul3A_225 = arith.muli %scan3A_219, %mul3A_224 : i32
      %get3A_226 = arith.index_cast %mul3A_225 : i32 to index
      %get3A_227 = tpu.vector_load %arg7[%get3A_226] {strides = array<i32>} : memref<1024xi32, #tpu.memory_space<vmem>>, vector<16xi32>,
      %get3A_228 = vector.shape_cast %get3A_227 : vector<16xi32> to vector<16xi32>
      %mul3A_229 = arith.constant 1000 : i32
      %mul3A_230 = vector.broadcast %mul3A_229 : i32 to vector<16xi32>
      %mul3A_231 = arith.muli %get3A_223, %mul3A_230 : vector<16xi32>
      %add3A_232 = arith.addi %mul3A_231, %get3A_228 : vector<16xi32>
      %add3A_233 = arith.constant 1000 : i32
      %add3A_234 = vector.broadcast %add3A_233 : i32 to vector<16xi32>
      %add3A_235 = arith.addi %add3A_232, %add3A_234 : vector<16xi32>
      %mul3A_236 = arith.constant 16 : i32
      %mul3A_237 = arith.muli %scan3A_219, %mul3A_236 : i32
      %swap3A = arith.index_cast %mul3A_237 : i32 to index
      %swap3A_238 = tpu.vector_load %arg8[%swap3A] {strides = array<i32>} : memref<1024xi32, #tpu.memory_space<vmem>>, vector<16xi32>,
      %swap3A_239 = vector.shape_cast %swap3A_238 : vector<16xi32> to vector<16xi32>
      %swap3A_240 = vector.shape_cast %add3A_235 : vector<16xi32> to vector<16xi32>
      tpu.vector_store %arg8[%swap3A], %swap3A_240 {strides = array<i32>} : memref<1024xi32, #tpu.memory_space<vmem>>, vector<16xi32>,
    }
    %scan3A_113 = arith.constant 64 : i32
    %dma_wait3A_114 = arith.constant 0 : i32
    %dma_wait3A_115 = tpu.memref_slice %arg11[%dma_wait3A_114] : memref<31248xf32, #tpu.memory_space<vmem>> -> memref<15624xf32, #tpu.memory_space<vmem>>
    %dma_wait3A_116 = tpu.memref_slice %arg14[%add3A_84] : memref<1001000xf32, #tpu.memory_space<vmem_shared>> -> memref<15624xf32, #tpu.memory_space<vmem_shared>>
    %dma_wait3A_117 = tpu.memref_slice %arg14[%add3A_84] : memref<1001000xf32, #tpu.memory_space<vmem_shared>> -> memref<15624xf32, #tpu.memory_space<vmem_shared>>
    %dma_wait3A_118 = arith.constant 0 : i32
    %dma_wait3A_119 = tpu.memref_slice %arg11[%dma_wait3A_118] : memref<31248xf32, #tpu.memory_space<vmem>> -> memref<15624xf32, #tpu.memory_space<vmem>>
    tpu.wait_dma2 semaphore(%arg19 : memref<!tpu.dma_semaphore, #tpu.memory_space<semaphore_mem>>) src(%dma_wait3A_119 : memref<15624xf32, #tpu.memory_space<vmem>>) dst(%dma_wait3A_117 : memref<15624xf32, #tpu.memory_space<vmem_shared>>)
    %dma_wait3A_120 = arith.constant 15624 : i32
    %dma_wait3A_121 = tpu.memref_slice %arg11[%dma_wait3A_120] : memref<31248xf32, #tpu.memory_space<vmem>> -> memref<15624xf32, #tpu.memory_space<vmem>>
    %dma_wait3A_122 = tpu.memref_slice %arg14[%add3A_100] : memref<1001000xf32, #tpu.memory_space<vmem_shared>> -> memref<15624xf32, #tpu.memory_space<vmem_shared>>
    %dma_wait3A_123 = tpu.memref_slice %arg14[%add3A_100] : memref<1001000xf32, #tpu.memory_space<vmem_shared>> -> memref<15624xf32, #tpu.memory_space<vmem_shared>>
    %dma_wait3A_124 = arith.constant 15624 : i32
    %dma_wait3A_125 = tpu.memref_slice %arg11[%dma_wait3A_124] : memref<31248xf32, #tpu.memory_space<vmem>> -> memref<15624xf32, #tpu.memory_space<vmem>>
    tpu.wait_dma2 semaphore(%arg20 : memref<!tpu.dma_semaphore, #tpu.memory_space<semaphore_mem>>) src(%dma_wait3A_125 : memref<15624xf32, #tpu.memory_space<vmem>>) dst(%dma_wait3A_123 : memref<15624xf32, #tpu.memory_space<vmem_shared>>)
    %eq3A = arith.constant 0 : i32
    %eq3A_126 = arith.cmpi eq, %arg1, %eq3A : i32
    %convert_element_type3A = arith.extui %eq3A_126 : i1 to i32
    %cond3A = arith.constant 0 : i32
    %cond3A_127 = arith.cmpi ne, %convert_element_type3A, %cond3A : i32
    scf.if %cond3A_127 {
      "tpu.region"() ({
        %run_scoped3A = tpu.sem_alloc : memref<!tpu.dma_semaphore, #tpu.memory_space<semaphore_mem>>
        tpu.enqueue_dma source(%arg3 : memref<1000xf32, #tpu.memory_space<hbm>>) target(%arg12 : memref<1000xf32, #tpu.memory_space<vmem>>) target_semaphore(%run_scoped3A : memref<!tpu.dma_semaphore, #tpu.memory_space<semaphore_mem>>)
        tpu.wait_dma2 semaphore(%run_scoped3A : memref<!tpu.dma_semaphore, #tpu.memory_space<semaphore_mem>>) src(%arg3 : memref<1000xf32, #tpu.memory_space<hbm>>) dst(%arg12 : memref<1000xf32, #tpu.memory_space<vmem>>)
        tpu.yield
      }) : () -> ()
      "tpu.region"() ({
        %run_scoped3A = tpu.sem_alloc : memref<!tpu.dma_semaphore, #tpu.memory_space<semaphore_mem>>
        %dma_start3A_219 = arith.constant 0 : i32
        %dma_start3A_220 = tpu.memref_slice %arg14[%dma_start3A_219] : memref<1001000xf32, #tpu.memory_space<vmem_shared>> -> memref<1000xf32, #tpu.memory_space<vmem_shared>>
        %dma_start3A_221 = arith.constant 0 : i32
        %dma_start3A_222 = tpu.memref_slice %arg14[%dma_start3A_221] : memref<1001000xf32, #tpu.memory_space<vmem_shared>> -> memref<1000xf32, #tpu.memory_space<vmem_shared>>
        tpu.enqueue_dma source(%arg12 : memref<1000xf32, #tpu.memory_space<vmem>>) target(%dma_start3A_222 : memref<1000xf32, #tpu.memory_space<vmem_shared>>) target_semaphore(%run_scoped3A : memref<!tpu.dma_semaphore, #tpu.memory_space<semaphore_mem>>)
        %dma_wait3A_223 = arith.constant 0 : i32
        %dma_wait3A_224 = tpu.memref_slice %arg14[%dma_wait3A_223] : memref<1001000xf32, #tpu.memory_space<vmem_shared>> -> memref<1000xf32, #tpu.memory_space<vmem_shared>>
        %dma_wait3A_225 = arith.constant 0 : i32
        %dma_wait3A_226 = tpu.memref_slice %arg14[%dma_wait3A_225] : memref<1001000xf32, #tpu.memory_space<vmem_shared>> -> memref<1000xf32, #tpu.memory_space<vmem_shared>>
        tpu.wait_dma2 semaphore(%run_scoped3A : memref<!tpu.dma_semaphore, #tpu.memory_space<semaphore_mem>>) src(%arg12 : memref<1000xf32, #tpu.memory_space<vmem>>) dst(%dma_wait3A_226 : memref<1000xf32, #tpu.memory_space<vmem_shared>>)
        tpu.yield
      }) : () -> ()
    } else {
    }
    %eq3A_128 = arith.constant 1 : i32
    %eq3A_129 = arith.cmpi eq, %arg1, %eq3A_128 : i32
    %convert_element_type3A_130 = arith.extui %eq3A_129 : i1 to i32
    %cond3A_131 = arith.constant 0 : i32
    %cond3A_132 = arith.cmpi ne, %convert_element_type3A_130, %cond3A_131 : i32
    scf.if %cond3A_132 {
      "tpu.region"() ({
        %run_scoped3A = tpu.sem_alloc : memref<!tpu.dma_semaphore, #tpu.memory_space<semaphore_mem>>
        %dma_start3A_219 = arith.constant 999936 : i32
        %dma_start3A_220 = tpu.memref_slice %arg4[%dma_start3A_219] : memref<1000000xf32, #tpu.memory_space<hbm>> -> memref<64xf32, #tpu.memory_space<hbm>>
        %dma_start3A_221 = arith.constant 999936 : i32
        %dma_start3A_222 = tpu.memref_slice %arg4[%dma_start3A_221] : memref<1000000xf32, #tpu.memory_space<hbm>> -> memref<64xf32, #tpu.memory_space<hbm>>
        tpu.enqueue_dma source(%dma_start3A_222 : memref<64xf32, #tpu.memory_space<hbm>>) target(%arg13 : memref<64xf32, #tpu.memory_space<vmem>>) target_semaphore(%run_scoped3A : memref<!tpu.dma_semaphore, #tpu.memory_space<semaphore_mem>>)
        %dma_wait3A_223 = arith.constant 999936 : i32
        %dma_wait3A_224 = tpu.memref_slice %arg4[%dma_wait3A_223] : memref<1000000xf32, #tpu.memory_space<hbm>> -> memref<64xf32, #tpu.memory_space<hbm>>
        %dma_wait3A_225 = arith.constant 999936 : i32
        %dma_wait3A_226 = tpu.memref_slice %arg4[%dma_wait3A_225] : memref<1000000xf32, #tpu.memory_space<hbm>> -> memref<64xf32, #tpu.memory_space<hbm>>
        tpu.wait_dma2 semaphore(%run_scoped3A : memref<!tpu.dma_semaphore, #tpu.memory_space<semaphore_mem>>) src(%dma_wait3A_226 : memref<64xf32, #tpu.memory_space<hbm>>) dst(%arg13 : memref<64xf32, #tpu.memory_space<vmem>>)
        tpu.yield
      }) : () -> ()
      "tpu.region"() ({
        %run_scoped3A = tpu.sem_alloc : memref<!tpu.dma_semaphore, #tpu.memory_space<semaphore_mem>>
        %dma_start3A_219 = arith.constant 1000936 : i32
        %dma_start3A_220 = tpu.memref_slice %arg14[%dma_start3A_219] : memref<1001000xf32, #tpu.memory_space<vmem_shared>> -> memref<64xf32, #tpu.memory_space<vmem_shared>>
        %dma_start3A_221 = arith.constant 1000936 : i32
        %dma_start3A_222 = tpu.memref_slice %arg14[%dma_start3A_221] : memref<1001000xf32, #tpu.memory_space<vmem_shared>> -> memref<64xf32, #tpu.memory_space<vmem_shared>>
        tpu.enqueue_dma source(%arg13 : memref<64xf32, #tpu.memory_space<vmem>>) target(%dma_start3A_222 : memref<64xf32, #tpu.memory_space<vmem_shared>>) target_semaphore(%run_scoped3A : memref<!tpu.dma_semaphore, #tpu.memory_space<semaphore_mem>>)
        %dma_wait3A_223 = arith.constant 1000936 : i32
        %dma_wait3A_224 = tpu.memref_slice %arg14[%dma_wait3A_223] : memref<1001000xf32, #tpu.memory_space<vmem_shared>> -> memref<64xf32, #tpu.memory_space<vmem_shared>>
        %dma_wait3A_225 = arith.constant 1000936 : i32
        %dma_wait3A_226 = tpu.memref_slice %arg14[%dma_wait3A_225] : memref<1001000xf32, #tpu.memory_space<vmem_shared>> -> memref<64xf32, #tpu.memory_space<vmem_shared>>
        tpu.wait_dma2 semaphore(%run_scoped3A : memref<!tpu.dma_semaphore, #tpu.memory_space<semaphore_mem>>) src(%arg13 : memref<64xf32, #tpu.memory_space<vmem>>) dst(%dma_wait3A_226 : memref<64xf32, #tpu.memory_space<vmem_shared>>)
        tpu.yield
      }) : () -> ()
    } else {
    }
    %barrier3A = arith.constant 0 : index
    tpu.barrier barrier_id(%barrier3A)
    %dma_start3A_133 = arith.constant 0 : i32
    %dma_start3A_134 = tpu.memref_slice %arg9[%dma_start3A_133] : memref<1024xf32, #tpu.memory_space<vmem>> -> memref<512xf32, #tpu.memory_space<vmem>>
    %dma_start3A_135 = arith.constant 0 : i32
    %dma_start3A_136 = tpu.memref_slice %arg6[%dma_start3A_135] : memref<1024xi32, #tpu.memory_space<vmem>> -> memref<512xi32, #tpu.memory_space<vmem>>
    %dma_start3A_137 = arith.constant 0 : i32
    %dma_start3A_138 = tpu.memref_slice %arg14[%dma_start3A_137] : memref<1001000xf32, #tpu.memory_space<vmem_shared>> -> memref<1001000xf32, #tpu.memory_space<vmem_shared>>
    tpu.enqueue_indirect_dma source(%dma_start3A_138 : memref<1001000xf32, #tpu.memory_space<vmem_shared>>) target(%dma_start3A_134 : memref<512xf32, #tpu.memory_space<vmem>>) offsets(%dma_start3A_136 : memref<512xi32, #tpu.memory_space<vmem>>) semaphore(%arg15 : memref<!tpu.dma_semaphore, #tpu.memory_space<semaphore_mem>>)
    %dma_start3A_139 = arith.constant 0 : i32
    %dma_start3A_140 = tpu.memref_slice %arg10[%dma_start3A_139] : memref<1024xf32, #tpu.memory_space<vmem>> -> memref<512xf32, #tpu.memory_space<vmem>>
    %dma_start3A_141 = arith.constant 0 : i32
    %dma_start3A_142 = tpu.memref_slice %arg8[%dma_start3A_141] : memref<1024xi32, #tpu.memory_space<vmem>> -> memref<512xi32, #tpu.memory_space<vmem>>
    %dma_start3A_143 = arith.constant 0 : i32
    %dma_start3A_144 = tpu.memref_slice %arg14[%dma_start3A_143] : memref<1001000xf32, #tpu.memory_space<vmem_shared>> -> memref<1001000xf32, #tpu.memory_space<vmem_shared>>
    tpu.enqueue_indirect_dma source(%dma_start3A_144 : memref<1001000xf32, #tpu.memory_space<vmem_shared>>) target(%dma_start3A_140 : memref<512xf32, #tpu.memory_space<vmem>>) offsets(%dma_start3A_142 : memref<512xi32, #tpu.memory_space<vmem>>) semaphore(%arg16 : memref<!tpu.dma_semaphore, #tpu.memory_space<semaphore_mem>>)
    %dma_start3A_145 = arith.constant 512 : i32
    %dma_start3A_146 = tpu.memref_slice %arg9[%dma_start3A_145] : memref<1024xf32, #tpu.memory_space<vmem>> -> memref<512xf32, #tpu.memory_space<vmem>>
    %dma_start3A_147 = arith.constant 512 : i32
    %dma_start3A_148 = tpu.memref_slice %arg6[%dma_start3A_147] : memref<1024xi32, #tpu.memory_space<vmem>> -> memref<512xi32, #tpu.memory_space<vmem>>
    %dma_start3A_149 = arith.constant 0 : i32
    %dma_start3A_150 = tpu.memref_slice %arg14[%dma_start3A_149] : memref<1001000xf32, #tpu.memory_space<vmem_shared>> -> memref<1001000xf32, #tpu.memory_space<vmem_shared>>
    tpu.enqueue_indirect_dma source(%dma_start3A_150 : memref<1001000xf32, #tpu.memory_space<vmem_shared>>) target(%dma_start3A_146 : memref<512xf32, #tpu.memory_space<vmem>>) offsets(%dma_start3A_148 : memref<512xi32, #tpu.memory_space<vmem>>) semaphore(%arg19 : memref<!tpu.dma_semaphore, #tpu.memory_space<semaphore_mem>>)
    %dma_start3A_151 = arith.constant 512 : i32
    %dma_start3A_152 = tpu.memref_slice %arg10[%dma_start3A_151] : memref<1024xf32, #tpu.memory_space<vmem>> -> memref<512xf32, #tpu.memory_space<vmem>>
    %dma_start3A_153 = arith.constant 512 : i32
    %dma_start3A_154 = tpu.memref_slice %arg8[%dma_start3A_153] : memref<1024xi32, #tpu.memory_space<vmem>> -> memref<512xi32, #tpu.memory_space<vmem>>
    %dma_start3A_155 = arith.constant 0 : i32
    %dma_start3A_156 = tpu.memref_slice %arg14[%dma_start3A_155] : memref<1001000xf32, #tpu.memory_space<vmem_shared>> -> memref<1001000xf32, #tpu.memory_space<vmem_shared>>
    tpu.enqueue_indirect_dma source(%dma_start3A_156 : memref<1001000xf32, #tpu.memory_space<vmem_shared>>) target(%dma_start3A_152 : memref<512xf32, #tpu.memory_space<vmem>>) offsets(%dma_start3A_154 : memref<512xi32, #tpu.memory_space<vmem>>) semaphore(%arg20 : memref<!tpu.dma_semaphore, #tpu.memory_space<semaphore_mem>>)
    %dma_wait3A_157 = arith.constant 0 : i32
    %dma_wait3A_158 = tpu.memref_slice %arg9[%dma_wait3A_157] : memref<1024xf32, #tpu.memory_space<vmem>> -> memref<512xf32, #tpu.memory_space<vmem>>
    %dma_wait3A_159 = arith.constant 0 : i32
    %dma_wait3A_160 = tpu.memref_slice %arg6[%dma_wait3A_159] : memref<1024xi32, #tpu.memory_space<vmem>> -> memref<512xi32, #tpu.memory_space<vmem>>
    %dma_wait3A_161 = arith.constant 0 : i32
    %dma_wait3A_162 = tpu.memref_slice %arg14[%dma_wait3A_161] : memref<1001000xf32, #tpu.memory_space<vmem_shared>> -> memref<1001000xf32, #tpu.memory_space<vmem_shared>>
    tpu.wait_indirect_dma semaphore(%arg15 : memref<!tpu.dma_semaphore, #tpu.memory_space<semaphore_mem>>) src(%dma_wait3A_162 : memref<1001000xf32, #tpu.memory_space<vmem_shared>>) dst(%dma_wait3A_158 : memref<512xf32, #tpu.memory_space<vmem>>)
    %dma_wait3A_163 = arith.constant 0 : i32
    %dma_wait3A_164 = tpu.memref_slice %arg10[%dma_wait3A_163] : memref<1024xf32, #tpu.memory_space<vmem>> -> memref<512xf32, #tpu.memory_space<vmem>>
    %dma_wait3A_165 = arith.constant 0 : i32
    %dma_wait3A_166 = tpu.memref_slice %arg8[%dma_wait3A_165] : memref<1024xi32, #tpu.memory_space<vmem>> -> memref<512xi32, #tpu.memory_space<vmem>>
    %dma_wait3A_167 = arith.constant 0 : i32
    %dma_wait3A_168 = tpu.memref_slice %arg14[%dma_wait3A_167] : memref<1001000xf32, #tpu.memory_space<vmem_shared>> -> memref<1001000xf32, #tpu.memory_space<vmem_shared>>
    tpu.wait_indirect_dma semaphore(%arg16 : memref<!tpu.dma_semaphore, #tpu.memory_space<semaphore_mem>>) src(%dma_wait3A_168 : memref<1001000xf32, #tpu.memory_space<vmem_shared>>) dst(%dma_wait3A_164 : memref<512xf32, #tpu.memory_space<vmem>>)
    %scan3A_169 = arith.constant 0 : i32
    %scan3A_170 = arith.constant 0 : i32
    %scan3A_171 = arith.constant 32 : i32
    %scan3A_172 = arith.addi %scan3A_170, %scan3A_171 : i32
    %scan3A_173 = arith.constant 1 : i32
    scf.for %scan3A_219 = %scan3A_170 to %scan3A_172 step %scan3A_173  : i32 {
      %mul3A_220 = arith.constant 16 : i32
      %mul3A_221 = arith.muli %scan3A_219, %mul3A_220 : i32
      %get3A = arith.index_cast %mul3A_221 : i32 to index
      %get3A_222 = tpu.vector_load %arg9[%get3A] {strides = array<i32>} : memref<1024xf32, #tpu.memory_space<vmem>>, vector<16xf32>,
      %get3A_223 = vector.shape_cast %get3A_222 : vector<16xf32> to vector<16xf32>
      %mul3A_224 = arith.constant 16 : i32
      %mul3A_225 = arith.muli %scan3A_219, %mul3A_224 : i32
      %get3A_226 = arith.index_cast %mul3A_225 : i32 to index
      %get3A_227 = tpu.vector_load %arg10[%get3A_226] {strides = array<i32>} : memref<1024xf32, #tpu.memory_space<vmem>>, vector<16xf32>,
      %get3A_228 = vector.shape_cast %get3A_227 : vector<16xf32> to vector<16xf32>
      %add3A_229 = arith.addf %get3A_223, %get3A_228 : vector<16xf32>
      %mul3A_230 = arith.constant 16 : i32
      %mul3A_231 = arith.muli %scan3A_219, %mul3A_230 : i32
      %swap3A = arith.index_cast %mul3A_231 : i32 to index
      %swap3A_232 = tpu.vector_load %arg9[%swap3A] {strides = array<i32>} : memref<1024xf32, #tpu.memory_space<vmem>>, vector<16xf32>,
      %swap3A_233 = vector.shape_cast %swap3A_232 : vector<16xf32> to vector<16xf32>
      %swap3A_234 = vector.shape_cast %add3A_229 : vector<16xf32> to vector<16xf32>
      tpu.vector_store %arg9[%swap3A], %swap3A_234 {strides = array<i32>} : memref<1024xf32, #tpu.memory_space<vmem>>, vector<16xf32>,
    }
    %scan3A_174 = arith.constant 32 : i32
    %dma_start3A_175 = arith.constant 0 : i32
    %dma_start3A_176 = tpu.memref_slice %arg9[%dma_start3A_175] : memref<1024xf32, #tpu.memory_space<vmem>> -> memref<512xf32, #tpu.memory_space<vmem>>
    %dma_start3A_177 = tpu.memref_slice %arg5[%mul3A_2] : memref<16384xf32, #tpu.memory_space<hbm>> -> memref<512xf32, #tpu.memory_space<hbm>>
    %dma_start3A_178 = tpu.memref_slice %arg5[%mul3A_2] : memref<16384xf32, #tpu.memory_space<hbm>> -> memref<512xf32, #tpu.memory_space<hbm>>
    %dma_start3A_179 = arith.constant 0 : i32
    %dma_start3A_180 = tpu.memref_slice %arg9[%dma_start3A_179] : memref<1024xf32, #tpu.memory_space<vmem>> -> memref<512xf32, #tpu.memory_space<vmem>>
    tpu.enqueue_dma source(%dma_start3A_180 : memref<512xf32, #tpu.memory_space<vmem>>) target(%dma_start3A_178 : memref<512xf32, #tpu.memory_space<hbm>>) target_semaphore(%arg17 : memref<!tpu.dma_semaphore, #tpu.memory_space<semaphore_mem>>)
    %dma_wait3A_181 = arith.constant 512 : i32
    %dma_wait3A_182 = tpu.memref_slice %arg9[%dma_wait3A_181] : memref<1024xf32, #tpu.memory_space<vmem>> -> memref<512xf32, #tpu.memory_space<vmem>>
    %dma_wait3A_183 = arith.constant 512 : i32
    %dma_wait3A_184 = tpu.memref_slice %arg6[%dma_wait3A_183] : memref<1024xi32, #tpu.memory_space<vmem>> -> memref<512xi32, #tpu.memory_space<vmem>>
    %dma_wait3A_185 = arith.constant 0 : i32
    %dma_wait3A_186 = tpu.memref_slice %arg14[%dma_wait3A_185] : memref<1001000xf32, #tpu.memory_space<vmem_shared>> -> memref<1001000xf32, #tpu.memory_space<vmem_shared>>
    tpu.wait_indirect_dma semaphore(%arg19 : memref<!tpu.dma_semaphore, #tpu.memory_space<semaphore_mem>>) src(%dma_wait3A_186 : memref<1001000xf32, #tpu.memory_space<vmem_shared>>) dst(%dma_wait3A_182 : memref<512xf32, #tpu.memory_space<vmem>>)
    %dma_wait3A_187 = arith.constant 512 : i32
    %dma_wait3A_188 = tpu.memref_slice %arg10[%dma_wait3A_187] : memref<1024xf32, #tpu.memory_space<vmem>> -> memref<512xf32, #tpu.memory_space<vmem>>
    %dma_wait3A_189 = arith.constant 512 : i32
    %dma_wait3A_190 = tpu.memref_slice %arg8[%dma_wait3A_189] : memref<1024xi32, #tpu.memory_space<vmem>> -> memref<512xi32, #tpu.memory_space<vmem>>
    %dma_wait3A_191 = arith.constant 0 : i32
    %dma_wait3A_192 = tpu.memref_slice %arg14[%dma_wait3A_191] : memref<1001000xf32, #tpu.memory_space<vmem_shared>> -> memref<1001000xf32, #tpu.memory_space<vmem_shared>>
    tpu.wait_indirect_dma semaphore(%arg20 : memref<!tpu.dma_semaphore, #tpu.memory_space<semaphore_mem>>) src(%dma_wait3A_192 : memref<1001000xf32, #tpu.memory_space<vmem_shared>>) dst(%dma_wait3A_188 : memref<512xf32, #tpu.memory_space<vmem>>)
    %scan3A_193 = arith.constant 0 : i32
    %scan3A_194 = arith.constant 0 : i32
    %scan3A_195 = arith.constant 32 : i32
    %scan3A_196 = arith.addi %scan3A_194, %scan3A_195 : i32
    %scan3A_197 = arith.constant 1 : i32
    scf.for %scan3A_219 = %scan3A_194 to %scan3A_196 step %scan3A_197  : i32 {
      %mul3A_220 = arith.constant 16 : i32
      %mul3A_221 = arith.muli %scan3A_219, %mul3A_220 : i32
      %add3A_222 = arith.constant 512 : i32
      %add3A_223 = arith.addi %add3A_222, %mul3A_221 : i32
      %get3A = arith.index_cast %add3A_223 : i32 to index
      %get3A_224 = tpu.vector_load %arg9[%get3A] {strides = array<i32>} : memref<1024xf32, #tpu.memory_space<vmem>>, vector<16xf32>,
      %get3A_225 = vector.shape_cast %get3A_224 : vector<16xf32> to vector<16xf32>
      %get3A_226 = arith.index_cast %add3A_223 : i32 to index
      %get3A_227 = tpu.vector_load %arg10[%get3A_226] {strides = array<i32>} : memref<1024xf32, #tpu.memory_space<vmem>>, vector<16xf32>,
      %get3A_228 = vector.shape_cast %get3A_227 : vector<16xf32> to vector<16xf32>
      %add3A_229 = arith.addf %get3A_225, %get3A_228 : vector<16xf32>
      %swap3A = arith.index_cast %add3A_223 : i32 to index
      %swap3A_230 = tpu.vector_load %arg9[%swap3A] {strides = array<i32>} : memref<1024xf32, #tpu.memory_space<vmem>>, vector<16xf32>,
      %swap3A_231 = vector.shape_cast %swap3A_230 : vector<16xf32> to vector<16xf32>
      %swap3A_232 = vector.shape_cast %add3A_229 : vector<16xf32> to vector<16xf32>
      tpu.vector_store %arg9[%swap3A], %swap3A_232 {strides = array<i32>} : memref<1024xf32, #tpu.memory_space<vmem>>, vector<16xf32>,
    }
    %scan3A_198 = arith.constant 32 : i32
    %add3A_199 = arith.constant 512 : i32
    %add3A_200 = arith.addi %mul3A_2, %add3A_199 : i32
    %dma_start3A_201 = arith.constant 512 : i32
    %dma_start3A_202 = tpu.memref_slice %arg9[%dma_start3A_201] : memref<1024xf32, #tpu.memory_space<vmem>> -> memref<512xf32, #tpu.memory_space<vmem>>
    %dma_start3A_203 = tpu.memref_slice %arg5[%add3A_200] : memref<16384xf32, #tpu.memory_space<hbm>> -> memref<512xf32, #tpu.memory_space<hbm>>
    %dma_start3A_204 = tpu.memref_slice %arg5[%add3A_200] : memref<16384xf32, #tpu.memory_space<hbm>> -> memref<512xf32, #tpu.memory_space<hbm>>
    %dma_start3A_205 = arith.constant 512 : i32
    %dma_start3A_206 = tpu.memref_slice %arg9[%dma_start3A_205] : memref<1024xf32, #tpu.memory_space<vmem>> -> memref<512xf32, #tpu.memory_space<vmem>>
    tpu.enqueue_dma source(%dma_start3A_206 : memref<512xf32, #tpu.memory_space<vmem>>) target(%dma_start3A_204 : memref<512xf32, #tpu.memory_space<hbm>>) target_semaphore(%arg18 : memref<!tpu.dma_semaphore, #tpu.memory_space<semaphore_mem>>)
    %dma_wait3A_207 = arith.constant 0 : i32
    %dma_wait3A_208 = tpu.memref_slice %arg9[%dma_wait3A_207] : memref<1024xf32, #tpu.memory_space<vmem>> -> memref<512xf32, #tpu.memory_space<vmem>>
    %dma_wait3A_209 = tpu.memref_slice %arg5[%mul3A_2] : memref<16384xf32, #tpu.memory_space<hbm>> -> memref<512xf32, #tpu.memory_space<hbm>>
    %dma_wait3A_210 = tpu.memref_slice %arg5[%mul3A_2] : memref<16384xf32, #tpu.memory_space<hbm>> -> memref<512xf32, #tpu.memory_space<hbm>>
    %dma_wait3A_211 = arith.constant 0 : i32
    %dma_wait3A_212 = tpu.memref_slice %arg9[%dma_wait3A_211] : memref<1024xf32, #tpu.memory_space<vmem>> -> memref<512xf32, #tpu.memory_space<vmem>>
    tpu.wait_dma2 semaphore(%arg17 : memref<!tpu.dma_semaphore, #tpu.memory_space<semaphore_mem>>) src(%dma_wait3A_212 : memref<512xf32, #tpu.memory_space<vmem>>) dst(%dma_wait3A_210 : memref<512xf32, #tpu.memory_space<hbm>>)
    %dma_wait3A_213 = arith.constant 512 : i32
    %dma_wait3A_214 = tpu.memref_slice %arg9[%dma_wait3A_213] : memref<1024xf32, #tpu.memory_space<vmem>> -> memref<512xf32, #tpu.memory_space<vmem>>
    %dma_wait3A_215 = tpu.memref_slice %arg5[%add3A_200] : memref<16384xf32, #tpu.memory_space<hbm>> -> memref<512xf32, #tpu.memory_space<hbm>>
    %dma_wait3A_216 = tpu.memref_slice %arg5[%add3A_200] : memref<16384xf32, #tpu.memory_space<hbm>> -> memref<512xf32, #tpu.memory_space<hbm>>
    %dma_wait3A_217 = arith.constant 512 : i32
    %dma_wait3A_218 = tpu.memref_slice %arg9[%dma_wait3A_217] : memref<1024xf32, #tpu.memory_space<vmem>> -> memref<512xf32, #tpu.memory_space<vmem>>
    tpu.wait_dma2 semaphore(%arg18 : memref<!tpu.dma_semaphore, #tpu.memory_space<semaphore_mem>>) src(%dma_wait3A_218 : memref<512xf32, #tpu.memory_space<vmem>>) dst(%dma_wait3A_216 : memref<512xf32, #tpu.memory_space<hbm>>)
    return
  }
}

module attributes {stable_mosaic.version = 14 : i64} {
  func.func @_rowstats_kernel(%arg0: memref<1000xf32, #tpu.memory_space<vmem>>, %arg1: memref<1000x1000xf32, #tpu.memory_space<vmem>>, %arg2: memref<1000xf32, #tpu.memory_space<vmem>>) attributes {dimension_semantics = [], scalar_prefetch = 0 : i64, scratch_operands = 0 : i64, tpu.core_type = #tpu.core_type<tc>} {
    %get3A = arith.constant 0 : index
    %get3A_0 = vector.load %arg0[%get3A] : memref<1000xf32, #tpu.memory_space<vmem>>, vector<1000xf32>
    %exp3A = math.exp %get3A_0 : vector<1000xf32>
    %reduce_sum3A = vector.shape_cast %exp3A : vector<1000xf32> to vector<1x1000xf32>
    %reduce_sum3A_1 = arith.constant dense<0.000000e+00> : vector<1xf32>
    %reduce_sum3A_2 = vector.multi_reduction <add>, %reduce_sum3A, %reduce_sum3A_1 [1] : vector<1x1000xf32> to vector<1xf32>
    %reduce_sum3A_3 = vector.shape_cast %reduce_sum3A_2 : vector<1xf32> to vector<1x1xf32>
    %reduce_sum3A_4 = vector.extract %reduce_sum3A_3[0, 0] : f32 from vector<1x1xf32>
    %log3A = math.log %reduce_sum3A_4 : f32
    %get3A_5 = arith.constant 0 : index
    %get3A_6 = arith.constant 0 : index
    %get3A_7 = vector.load %arg1[%get3A_5, %get3A_6] : memref<1000x1000xf32, #tpu.memory_space<vmem>>, vector<1000x1000xf32>
    %exp3A_8 = math.exp %get3A_7 : vector<1000x1000xf32>
    %reduce_sum3A_9 = arith.constant dense<0.000000e+00> : vector<1000xf32>
    %reduce_sum3A_10 = vector.multi_reduction <add>, %exp3A_8, %reduce_sum3A_9 [1] : vector<1000x1000xf32> to vector<1000xf32>
    %log3A_11 = math.log %reduce_sum3A_10 : vector<1000xf32>
    %sub3A = vector.broadcast %log3A : f32 to vector<1000xf32>
    %sub3A_12 = arith.subf %get3A_0, %sub3A : vector<1000xf32>
    %sub3A_13 = arith.subf %sub3A_12, %log3A_11 : vector<1000xf32>
    %swap3A = arith.constant 0 : index
    %swap3A_14 = vector.load %arg2[%swap3A] : memref<1000xf32, #tpu.memory_space<vmem>>, vector<1000xf32>
    tpu.vector_store %arg2[%swap3A], %sub3A_13 {strides = array<i32>} : memref<1000xf32, #tpu.memory_space<vmem>>, vector<1000xf32>,
    return
  }
}

</mosaic_0001>

<sc_bundles>
// kernel: kernel.4.cloned.1.call-start
scs
__scs_entry_jumppad:
0x0: {  	(pc) =	sbr.rel $0x88, $3  }
0x1: {  	(tag) =	ssettag $0x0;
	lr =	simm.s32 $0x1  }
0x2: {  	[smem:$0x3F9E] =	sst lr;
	_ =	strace $0xD0000000  }
0x3: {  	_ = 	snop  }
0x4: {  	_ = 	snop  }
0x5: {  	_ = 	snop  }
0x6: {  	_ = 	snop  }
0x7: {  	_ = 	snop  }
__scs_overlays_trampoline_lowered:
0x8: {  	[smem:$0x3FAD] =	sst s0  }
0x9: {  	[smem:$0x3FAE] =	sst s1  }
0xa: {  	[smem:$0x3FAF] =	sst s2  }
0xb: {  	[smem:$0x3FB0] =	sst s3  }
0xc: {  	[smem:$0x3FB1] =	sst s4  }
0xd: {  	[smem:$0x3FB2] =	sst s5  }
0xe: {  	[smem:$0x3FB3] =	sst s6  }
0xf: {  	[smem:$0x3FB4] =	sst s7  }
0x10: {  	[smem:$0x3FB5] =	sst s8  }
0x11: {  	[smem:$0x3FB6] =	sst s9;
	s0 =	simm.s32 @!p0 $0x0  }
0x12: {  	s1 =	sld [smem:$0x3F9C];
	s0 =	simm.s32 @p0 $0x1  }
0x13: {  	[smem:$0x3FB7] =	sst s0;
	s0 =	simm.s32 @!p1 $0x0  }
0x14: {  	s2 =	sld [smem:$0x3F9B];
	s0 =	simm.s32 @p1 $0x1  }
0x15: {  	[smem:$0x3FB8] =	sst s0;
	s0 =	simm.s32 @!p2 $0x0  }
0x16: {  	s3 =	sld [smem:$0x3FDB];
	s0 =	simm.s32 @p2 $0x1  }
0x17: {  	s4 =	simm.s32 $0x1BF5;
	[smem:$0x3FBA] =	sst s0  }
0x18: {  	s0 =	sld [smem:$0x3F9D];
	_ =	swait.ge [sflag:s4], $0x0  }
0x19: {  	s7 =	sld [smem:$0x3F9E]  }
0x1a: {  	s8 =	sadd.s32 $0xFFFFE003, lr  }
0x1b: {  	s9 =	sadd.s32 $0xFFFFFEF7, lr;
	s5 =	simm.s32 $0xFFFFFFFF;
	p2 =	slt.u32 s8, $0xFFFFF086  }
0x1c: {  	p1 =	slt.u32 s9, $0xF7A;
	s5 =	simm.s32 @!p2 $0x0  }
0x1d: {  	s5 =	simm.s32 @p1 $0x1;
	p0 =	seq.s32 s7, s2  }
0x1e: {  	s7 =	smul.u32 @!p0 $0xF7A, s2;
	p2 =	seq.s32 @!p0 s5, $0x0  }
0x1f: {  	s9 =	smul.u32 $0xF7A, s1;
	s8 =	simm.s32 @!p0 $0x1BF5;
	p2 =	por !p2, p0  }
0x20: {  	[sflag:s8] =	ssyncset.s32 @!p0 $0xFFFFF086;
	s6 =	sadd.s32 @!p0 s3, s7;
	s7 =	simm.s32 @!p0 $0x108  }
0x21: {  	s3 =	sadd.s32 s3, s9;
	s6 =	sadd.s32 @!p0 $0x88, s6;
	s7 =	simm.s32 @p2 $0x1082  }
0x22: {  	[simem:s7], [sflag:s8] =	dma.local @!p0 [hbm:s6], $0xF7A  }
0x23: {  	s9 =	sor.u32 $0xD0000000, s2;
	s6 =	simm.s32 $0x108;
	_ =	swait.ge @!p0 [sflag:s8], $0x0  }
0x24: {  	s3 =	sadd.s32 $0x88, s3;
	s6 =	simm.s32 @!p1 $0x1082;
	[sflag:s4] =	ssyncset.s32 $0xFFFFF086  }
0x25: {  	[simem:s6], [sflag:s4] =	dma.local [hbm:s3], $0xF7A  }
0x26: {  	[smem:$0x3F9E] =	sst s1;
	(tag) =	ssettag s2;
	_ =	strace s9  }
0x27: {  	s1 =	sld [smem:$0x3FAE]  }
0x28: {  	s2 =	sld [smem:$0x3FAF]  }
0x29: {  	s4 =	sld [smem:$0x3FB1]  }
0x2a: {  	p0 =	seq.s32 s5, $0x0;
	s5 =	sld [smem:$0x3FB2]  }
0x2b: {  	s6 =	sld [smem:$0x3FB3]  }
0x2c: {  	s7 =	sld [smem:$0x3FB4]  }
0x2d: {  	s3 =	simm.s32 $0x108;
	s8 =	sld [smem:$0x3FB5]  }
0x2e: {  	s3 =	simm.s32 @!p0 $0x1082;
	s9 =	sld [smem:$0x3FB6]  }
0x2f: {  	lr =	sadd.s32 s0, s3;
	s0 =	sld [smem:$0x3FAD]  }
0x30: {  	s3 =	sld [smem:$0x3FB0]  }
0x31: {  	[smem:$0x3FB9] =	sst s10  }
0x32: {  	s10 =	sld [smem:$0x3FB7];
	_ =	sdelay $0x3  }
0x33: {  	p0 =	seq.s32 s10, $0x1;
	s10 =	sld [smem:$0x3FB9];
	_ =	sdelay $0x3  }
0x34: {  	[smem:$0x3FB9] =	sst s10  }
0x35: {  	s10 =	sld [smem:$0x3FB8];
	_ =	sdelay $0x3  }
0x36: {  	p1 =	seq.s32 s10, $0x1;
	s10 =	sld [smem:$0x3FB9];
	_ =	sdelay $0x3  }
0x37: {  	[smem:$0x3FB9] =	sst s10  }
0x38: {  	s10 =	sld [smem:$0x3FBA]  }
0x39: {  	_ = 	snop;
	(pc) =	sbr.ind lr, $3  }
0x3a: {  	_ = 	snop  }
0x3b: {  	_ = 	snop  }
0x3c: {  	p2 =	seq.s32 s10, $0x1;
	s10 =	sld [smem:$0x3FB9]  }
0x3d: {  	_ =	shalt  }
0x3e: {  	_ =	shalt  }
0x3f: {  	_ =	shalt  }
0x40: {  	_ =	shalt  }
0x41: {  	_ =	shalt  }
0x42: {  	_ =	shalt  }
0x43: {  	_ =	shalt  }
0x44: {  	_ =	shalt  }
0x45: {  	_ =	shalt  }
0x46: {  	_ =	shalt  }
0x47: {  	_ =	shalt  }
0x48: {  	_ =	shalt  }
0x49: {  	_ =	shalt  }
0x4a: {  	_ =	shalt  }
0x4b: {  	_ =	shalt  }
0x4c: {  	_ =	shalt  }
0x4d: {  	_ =	shalt  }
0x4e: {  	_ =	shalt  }
0x4f: {  	_ =	shalt  }
0x50: {  	_ =	shalt  }
0x51: {  	_ =	shalt  }
0x52: {  	_ =	shalt  }
0x53: {  	_ =	shalt  }
0x54: {  	_ =	shalt  }
0x55: {  	_ =	shalt  }
0x56: {  	_ =	shalt  }
0x57: {  	_ =	shalt  }
0x58: {  	_ =	shalt  }
0x59: {  	_ =	shalt  }
0x5a: {  	_ =	shalt  }
0x5b: {  	_ =	shalt  }
0x5c: {  	_ =	shalt  }
0x5d: {  	_ =	shalt  }
0x5e: {  	_ =	shalt  }
0x5f: {  	_ =	shalt  }
0x60: {  	_ =	shalt  }
0x61: {  	_ =	shalt  }
0x62: {  	_ =	shalt  }
0x63: {  	_ =	shalt  }
0x64: {  	_ =	shalt  }
0x65: {  	_ =	shalt  }
0x66: {  	_ =	shalt  }
0x67: {  	_ =	shalt  }
0x68: {  	_ =	shalt  }
0x69: {  	_ =	shalt  }
0x6a: {  	_ =	shalt  }
0x6b: {  	_ =	shalt  }
0x6c: {  	_ =	shalt  }
0x6d: {  	_ =	shalt  }
0x6e: {  	_ =	shalt  }
0x6f: {  	_ =	shalt  }
0x70: {  	_ =	shalt  }
0x71: {  	_ =	shalt  }
0x72: {  	_ =	shalt  }
0x73: {  	_ =	shalt  }
0x74: {  	_ =	shalt  }
0x75: {  	_ =	shalt  }
0x76: {  	_ =	shalt  }
0x77: {  	_ =	shalt  }
0x78: {  	_ =	shalt  }
0x79: {  	_ =	shalt  }
0x7a: {  	_ =	shalt  }
0x7b: {  	_ =	shalt  }
0x7c: {  	_ =	shalt  }
0x7d: {  	_ =	shalt  }
0x7e: {  	_ =	shalt  }
0x7f: {  	_ =	shalt  }
0x80: {  	_ =	shalt  }
0x81: {  	_ =	shalt  }
0x82: {  	_ =	shalt  }
0x83: {  	_ =	shalt  }
0x84: {  	_ =	shalt  }
0x85: {  	_ =	shalt  }
0x86: {  	_ =	shalt  }
0x87: {  	_ =	shalt  }
.Lfunc_end0:
.L_simem_size_0:
called_computation_lowered:
.L_overlay_start_0:
0x88: {  	s0 =	sld [smem:$0x3FD9]  }
0x89: {  	s1 =	sld [smem:$0x3FFE];
	_ =	sdelay $0x3  }
0x8a: {  	s0 =	sadd.s32 s1, s0  }
0x8b: {  	[smem:$0x3FC5] =	sst s0  }
0x8c: {  	_ = 	snop  }
0x8d: {  	s0 =	sld [smem:$0x3FD0];
	(tm) =	ssettm $0x1  }
0x8e: {  	s16 =	sld [smem:$0x3FFB];
	_ =	sdelay $0x3  }
0x8f: {  	_ =	strace s16  }
0x90: {  	s1 =	sld [smem:$0x3FFC];
	_ =	sdelay $0x3  }
0x91: {  	_ =	strace s1  }
0x92: {  	s1 =	sld [smem:$0x3FFD];
	_ =	sdelay $0x3  }
0x93: {  	_ =	strace s1  }
0x94: {  	_ =	strace $0x8FFFFFFF  }
0x95: {  	s17 =	sld [smem:$0x3FDB];
	_ =	sdelay $0x1  }
0x96: {  	s2 =	simm.s32 $_scs_section_size  }
0x97: {  	s3 =	simm.s32 $_size__tile_overlayer_lowered;
	s4 =	simm.s32 $_tile_overlayer_lowered  }
0x98: {  	s20 =	simm.s32 $0x1BFF;
	s19 =	sshll.u32 s4, $0x1;
	s1 =	sadd.s32 s2, s17  }
0x99: {  	s5 =	simm.s32 $0x0;
	s18 =	sshll.u32 s3, $0x1;
	s3 =	sadd.s32 s19, s1  }
0x9a: {  	[timem:s5], [sflag:s20] =	dma.local [hbm:s3], s18  }
0x9b: {  	_ =	swait.ge [sflag:s20], s18  }
0x9c: {  	s2 =	ssub.s32 $0x0, s18;
	[sflag:s20] =	ssyncset.done $0x0  }
0x9d: {  	[sflag:s20] =	ssyncadd.s32 s2;
	_ =	sdelay $0x1  }
0x9e: {  	s21 =	simm.s32 $0x1B8B  }
0x9f: {  	_ =	swait.ge [sflag:s21], $0x1  }
0xa0: {  	[sflag:s21] =	ssyncset.done $0x0  }
0xa1: {  	s23 =	simm.s32 $0x1B8E;
	s22 =	sld [smem:$0x3FFE];
	[sflag:s21] =	ssyncadd.s32 $0xFFFFFFFF  }
0xa2: {  	s24 =	simm.s32 $execute0_lowered;
	[smem:$0x3FD2] =	sst s23  }
0xa3: {  	s3 =	sshll.u32 s24, $0x1;
	_ =	strace $0x80000046;
	[dreg:$0x1] =	wrdreg $0xFFFFFFFF  }
0xa4: {  	s25 =	simm.s32 $_size_execute0_lowered;
	s1 =	sadd.s32 s1, s3;
	[dreg:$0x0] =	wrdreg $0x0  }
0xa5: {  	s3 =	sshll.u32 s25, $0x1;
	[dreg:$0x2] =	wrdreg s1  }
0xa6: {  	[dreg:$0x3] =	wrdreg s3  }
0xa7: {  	[dreg:$0x4] =	wrdreg $0xC0  }
0xa8: {  	_ =	task [dreg:s5], $0x5FFFF  }
0xa9: {  	[dreg:$0x1] =	wrdreg $0xFFFFFFFF  }
0xaa: {  	[dreg:$0x0] =	wrdreg $0x60  }
0xab: {  	[dreg:$0x2] =	wrdreg s22  }
0xac: {  	[dreg:$0x3] =	wrdreg s0  }
0xad: {  	[dreg:$0x4] =	wrdreg $0x93000  }
0xae: {  	[dreg:$0x5] =	wrdreg $0x9  }
0xaf: {  	_ =	task.clear_ibuf [dreg:s5], $0x6FFFF;
	_ =	strace $0x90000046  }
0xb0: {  	s26 =	simm.s32 $0x9;
	_ =	strace $0x80000048  }
0xb1: {  	_ =	swait.ge [sflag:s26], $0x1  }
0xb2: {  	[sflag:s26] =	ssyncadd.s32 $0xFFFFFFFF  }
0xb3: {  	_ =	strace $0x90000048  }
0xb4: {  	_ =	sfence  }
0xb5: {  	s28 =	sld [smem:$0x0];
	_ =	sdelay $0x1  }
0xb6: {  	s29 =	srdreg.scid  }
0xb7: {  	s30 =	sshll.u32 s29, $0xD;
	s31 =	sshrl.u32 s29, $0x2  }
0xb8: {  	s2 =	sand.u32 $0x4000, s30;
	s1 =	sand.u32 $0x1, s29;
	s0 =	sadd.s32 s31, s28  }
0xb9: {  	s1 =	sor.u32 s2, s1;
	s0 =	sshll.u32 s0, $0x11  }
0xba: {  	s0 =	sor.u32 s0, s1  }
0xbb: {  	s0 =	sadd.s32 $0x8F2B, s0  }
0xbc: {  	[sflag:s0] =	ssyncadd.remote.s32 $0x1  }
0xbd: {  	_ =	sfence.sel $0xFFFF  }
0xbe: {  	[dreg:$0x0] =	wrdreg $0xFFFFFFFF;
	(pc) =	sbr.abs _section_cstart, $3  }
0xbf: {  	[dreg:$0x1] =	wrdreg $0xFFFFFFFF  }
0xc0: {  	_ =	task.clear_ibuf [dreg:s5], $0x2FFFF;
	_ =	strace $0x9FFFFFFF  }
0xc1: {  	(tm) =	ssettm $0x7FFFFFFF  }
tec
execute0_lowered:
.L_overlay_start_1:
0x0: {  	(tag) =	ssettag $0x1  }
0x1: {  	s6 =	rddreg [dreg:$0x0]  }
0x2: {  	s2 =	rddreg [dreg:$0x1]  }
0x3: {  	s3 =	rddreg [dreg:$0x2];
	s1 =	stileid.u32  }
0x4: {  	s0 =	rddreg [dreg:$0x3];
	s7 =	simm.s32 $0x0;
	s4 =	smul.u32 $0xF420, s1  }
0x5: {  	s10 =	simm.s32 $0x1400;
	[smem:$0x7FF] =	sst s7  }
0x6: {  	s5 =	sadd.s32 $0xC00, s6;
	s8 =	sshrl.u32 s4, $0x3;
	s9 =	sadd.s32 $0x3D08, s4  }
0x7: {  	_ =	strace $0x80000047;
	s8 =	sadd.s32 s5, s8;
	s9 =	sshrl.u32 s9, $0x3  }
0x8: {  	[tilespmem:s10], [sflag:$0x3] =	stream.linear.gather [hbm4b:s8+s7], $0x3D08, $0x38;
	[tilespmem:$0x18768] =	vst v63  }
0x9: {  	s11 =	simm.s32 $0x5108;
	s22 =	simm.s32 $0x3;
	s9 =	sadd.s32 s5, s9  }
0xa: {  	[tilespmem:s11], [sflag:$0x4] =	stream.linear.gather [hbm4b:s9+s7], $0x3D08, $0x38;
	[tilespmem:$0x18768] =	vst v63  }
0xb: {  	_ =	swait.ge [sflag:s22], $0x3D08  }
0xc: {  	s12 =	sadd.s32 s4, s3;
	[sflag:s22] =	ssyncset.done $0x0  }
0xd: {  	s23 =	simm.s32 $0x4;
	s13 =	sadd.s32 $0x3E8, s12;
	[sflag:s22] =	ssyncadd.s32 $0xFFFFC2F8  }
0xe: {  	[spmem:s13] =	stream.linear.scatter [tilespmem:s10], [sflag:$0x5], $0x3D08, $0x38;
	[tilespmem:$0x18768] =	vst v63  }
0xf: {  	_ =	swait.ge [sflag:s23], $0x3D08  }
0x10: {  	[sflag:s23] =	ssyncset.done $0x0  }
0x11: {  	s24 =	simm.s32 $0x5;
	s14 =	sadd.s32 $0x40F0, s12;
	[sflag:s23] =	ssyncadd.s32 $0xFFFFC2F8  }
0x12: {  	[spmem:s14] =	stream.linear.scatter [tilespmem:s11], [sflag:$0x6], $0x3D08, $0x38;
	[tilespmem:$0x18768] =	vst v63  }
0x13: {  	_ =	swait.ge [sflag:s24], $0x3D08  }
0x14: {  	[sflag:s24] =	ssyncset.done $0x0  }
0x15: {  	s25 =	simm.s32 $0x6;
	s8 =	sadd.s32 $0xF42, s8;
	[sflag:s24] =	ssyncadd.s32 $0xFFFFC2F8  }
0x16: {  	[tilespmem:s10], [sflag:$0x3] =	stream.linear.gather [hbm4b:s8+s7], $0x3D08, $0x38;
	[tilespmem:$0x18768] =	vst v63  }
0x17: {  	s4 =	sadd.s32 $0xB718, s4;
	_ =	swait.ge [sflag:s25], $0x3D08  }
0x18: {  	s4 =	sshrl.u32 s4, $0x3;
	[sflag:s25] =	ssyncset.done $0x0  }
0x19: {  	s4 =	sadd.s32 s5, s4;
	[sflag:s25] =	ssyncadd.s32 $0xFFFFC2F8  }
0x1a: {  	[tilespmem:s11], [sflag:$0x4] =	stream.linear.gather [hbm4b:s4+s7], $0x3D08, $0x38;
	[tilespmem:$0x18768] =	vst v63  }
0x1b: {  	_ =	swait.ge [sflag:s22], $0x3D08  }
0x1c: {  	[sflag:s22] =	ssyncset.done $0x0  }
0x1d: {  	s26 =	sadd.s32 $0x7DF8, s12;
	[sflag:s22] =	ssyncadd.s32 $0xFFFFC2F8  }
0x1e: {  	[spmem:s26] =	stream.linear.scatter [tilespmem:s10], [sflag:$0x5], $0x3D08, $0x38;
	[tilespmem:$0x18768] =	vst v63  }
0x1f: {  	_ =	swait.ge [sflag:s23], $0x3D08  }
0x20: {  	s4 =	sshll.u32 s1, $0x7;
	[sflag:s23] =	ssyncset.done $0x0  }
0x21: {  	s29 =	sadd.s32 $0xBB00, s12;
	s28 =	sadd.s32 s4, s6;
	[sflag:s23] =	ssyncadd.s32 $0xFFFFC2F8  }
0x22: {  	[spmem:s29] =	stream.linear.scatter [tilespmem:s11], [sflag:$0x6], $0x3D08, $0x38;
	[tilespmem:$0x18768] =	vst v63  }
0x23: {  	s30 =	simm.s32 $0x7;
	s8 =	sadd.s32 $0x1F800, s28  }
0x24: {  	[tilespmem:s7], [sflag:$0x7] =	stream.linear.gather [hbm4b:s8+s7], $0x400, $0x38;
	[tilespmem:$0x18768] =	vst v63  }
0x25: {  	_ =	swait.ge [sflag:s30], $0x400  }
0x26: {  	[sflag:s30] =	ssyncset.done $0x0  }
0x27: {  	s31 =	simm.s32 $0x400;
	s8 =	sadd.s32 $0x800, s8;
	[sflag:s30] =	ssyncadd.s32 $0xFFFFFC00  }
0x28: {  	[tilespmem:s31], [sflag:$0x7] =	stream.linear.gather [hbm4b:s8+s7], $0x400, $0x38;
	[tilespmem:$0x18768] =	vst v63  }
0x29: {  	_ =	swait.ge [sflag:s30], $0x400  }
0x2a: {  	[sflag:s30] =	ssyncset.done $0x0  }
0x2b: {  	s7 =	simm.s32 $0x0;
	[sflag:s30] =	ssyncadd.s32 $0xFFFFFC00  }
0x2c: {  	v0 =	vld [tilespmem:s7+$0x0];
	_ =	sdelay $0x1  }
0x2d: {  	v1 =	vld [tilespmem:s7+$0x400]  }
0x2e: {  	s6 =	sadd.s32 $0x1F600, s6;
	s8 =	simm.s32 $0x40  }
.LBB2_1:
0x2f: {  	p0 =	sne.s32 s8, $0xFC0  }
.Ltmp0:
0x30: {  	s9 =	sshra.s32 s8, $0x2;
	s8 =	sadd.s32 $0x40, s8;
	v2 =	vmul.u32 $0x3E8, v0;
	(pc) =	sbr.rel @p0 .LBB2_1-.Ltmp0, $4  }
0x31: {  	v0 =	vld [tilespmem:s9+$0x0]  }
0x32: {  	v2 =	vadd.s32 v2, v1  }
0x33: {  	v1 =	vld [tilespmem:s9+$0x400];
	v2 =	vadd.s32 $0x3E8, v2  }
0x34: {  	[tilespmem:s7+$0x800] =	vst v2;
	s7 =	smov.u32 s9  }
0x35: {  	_ = 	snop  }
0x36: {  	v0 =	vmul.u32 $0x3E8, v0;
	_ =	sdelay $0x1  }
0x37: {  	v0 =	vadd.s32 v0, v1  }
0x38: {  	v0 =	vadd.s32 $0x3E8, v0  }
0x39: {  	s19 =	simm.s32 $0x5;
	[tilespmem:s7+$0x800] =	vst v0  }
0x3a: {  	_ =	swait.ge [sflag:s19], $0x3D08  }
0x3b: {  	[sflag:s19] =	ssyncset.done $0x0  }
0x3c: {  	s20 =	simm.s32 $0x6;
	[sflag:s19] =	ssyncadd.s32 $0xFFFFC2F8  }
0x3d: {  	p0 =	seq.s32 s1, $0x1;
	_ =	swait.ge [sflag:s20], $0x3D08  }
0x3e: {  	s5 =	sadd.s32 @p0 $0x1E840, s5;
	[sflag:s20] =	ssyncset.done $0x0  }
0x3f: {  	s8 =	simm.s32 @p0 $0x9280;
	s7 =	simm.s32 @p0 $0x0;
	[sflag:s20] =	ssyncadd.s32 $0xFFFFC2F8  }
0x40: {  	[tilespmem:s8], [sflag:$0x7] =	stream.linear.gather @p0 [hbm4b:s5+s7], $0x40, $0x38;
	[tilespmem:$0x18768] =	vst v63  }
0x41: {  	s5 =	simm.s32 @p0 $0x7  }
0x42: {  	_ =	swait.ge @p0 [sflag:s5], $0x40  }
0x43: {  	[sflag:s5] =	ssyncset.done @p0 $0x0  }
0x44: {  	s7 =	sadd.s32 @p0 $0xF45E8, s3;
	[sflag:s5] =	ssyncadd.s32 @p0 $0xFFFFFFC0  }
0x45: {  	[spmem:s7] =	stream.linear.scatter @p0 [tilespmem:s8], [sflag:$0x7], $0x40, $0x38;
	[tilespmem:$0x18768] =	vst v63  }
0x46: {  	p1 =	sne.s32 @!p0 s1, $0x0;
	_ =	swait.ge @p0 [sflag:s5], $0x40  }
0x47: {  	p1 =	por p1, p0;
	[sflag:s5] =	ssyncset.done @p0 $0x0  }
0x48: {  	s7 =	simm.s32 @!p1 $0x8E80;
	[sflag:s5] =	ssyncadd.s32 @p0 $0xFFFFFFC0;
	s5 =	simm.s32 @!p1 $0x0  }
0x49: {  	[tilespmem:s7], [sflag:$0x7] =	stream.linear.gather @!p1 [hbm4b:s6+s5], $0x400, $0x38;
	[tilespmem:$0x18768] =	vst v63  }
0x4a: {  	s5 =	simm.s32 @!p1 $0x7  }
0x4b: {  	_ =	swait.ge @!p1 [sflag:s5], $0x400  }
0x4c: {  	[sflag:s5] =	ssyncset.done @!p1 $0x0  }
0x4d: {  	[sflag:s5] =	ssyncadd.s32 @!p1 $0xFFFFFC00  }
0x4e: {  	[spmem:s3] =	stream.linear.scatter @!p1 [tilespmem:s7], [sflag:$0x7], $0x3E8, $0x38;
	[tilespmem:$0x18768] =	vst v63  }
0x4f: {  	_ =	swait.ge @!p1 [sflag:s5], $0x3E8  }
0x50: {  	[sflag:s5] =	ssyncset.done @!p1 $0x0  }
0x51: {  	s21 =	simm.s32 $0x200;
	[sflag:s5] =	ssyncadd.s32 @!p1 $0xFFFFFC18  }
0x52: {  	s22 =	simm.s32 $0x0;
	s23 =	simm.s32 $0xC00;
	[bflag:$0x0] =	sbarrier.arrive $0xFFFF  }
0x53: {  	[tilespmem:s23], [sflag:$0x1] =	stream.indirect.gather [spmem:s3], $0x1, s22, s21, $0xb8;
	[tilespmem:$0x18768] =	vst v63  }
0x54: {  	s24 =	simm.s32 $0x800;
	s25 =	simm.s32 $0x1000  }
0x55: {  	[tilespmem:s25], [sflag:$0x2] =	stream.indirect.gather [spmem:s3], $0x1, s24, s21, $0xb8;
	[tilespmem:$0x18768] =	vst v63  }
0x56: {  	s26 =	simm.s32 $0xE00  }
0x57: {  	[tilespmem:s26], [sflag:$0x5] =	stream.indirect.gather [spmem:s3], $0x1, s21, s21, $0xb8;
	[tilespmem:$0x18768] =	vst v63  }
0x58: {  	s28 =	simm.s32 $0xA00;
	s29 =	simm.s32 $0x1200;
	s30 =	simm.s32 $0x1  }
0x59: {  	[tilespmem:s29], [sflag:$0x6] =	stream.indirect.gather [spmem:s3], $0x1, s28, s21, $0xb8;
	[tilespmem:$0x18768] =	vst v63  }
0x5a: {  	_ =	swait.ge [sflag:s30], $0x200  }
0x5b: {  	[sflag:s30] =	ssyncset.done $0x0  }
0x5c: {  	s31 =	simm.s32 $0x2;
	[sflag:s30] =	ssyncadd.s32 $0xFFFFFE00  }
0x5d: {  	_ =	swait.ge [sflag:s31], $0x200  }
0x5e: {  	[sflag:s31] =	ssyncset.done $0x0  }
0x5f: {  	s3 =	sadd.s32 s2, s4;
	s4 =	simm.s32 $0x0;
	[sflag:s31] =	ssyncadd.s32 $0xFFFFFE00  }
0x60: {  	s5 =	simm.s32 $0x40;
	s2 =	sadd.s32 $0x40, s3;
	v0 =	vld [tilespmem:s4+$0x1000]  }
.LBB2_3:
0x61: {  	p0 =	sne.s32 s5, $0x7C0;
	v1 =	vld [tilespmem:s4+$0xC00];
	_ =	sdelay $0x2  }
.Ltmp1:
0x62: {  	(pc) =	sbr.rel @p0 .LBB2_3-.Ltmp1, $4  }
0x63: {  	_ = 	snop  }
0x64: {  	v1 =	vadd.f32 v0, v1  }
0x65: {  	s6 =	sshra.s32 s5, $0x2  }
0x66: {  	s5 =	sadd.s32 $0x40, s5;
	v0 =	vld [tilespmem:s6+$0x1000];
	[tilespmem:s4+$0xC00] =	vst v1;
	s4 =	smov.u32 s6  }
0x67: {  	v1 =	vld [tilespmem:s4+$0xC00];
	_ =	sdelay $0x4  }
0x68: {  	v0 =	vadd.f32 v0, v1;
	_ =	sdelay $0x1  }
0x69: {  	s29 =	simm.s32 $0x0;
	s5 =	simm.s32 $0xC00;
	s30 =	simm.s32 $0x5;
	[tilespmem:s4+$0xC00] =	vst v0  }
0x6a: {  	[hbm4b:s3+s29] =	stream.linear.scatter [tilespmem:s5], [sflag:$0x3], $0x200, $0x38;
	[tilespmem:$0x18768] =	vst v63  }
0x6b: {  	_ =	swait.ge [sflag:s30], $0x200  }
0x6c: {  	[sflag:s30] =	ssyncset.done $0x0  }
0x6d: {  	s31 =	simm.s32 $0x6;
	[sflag:s30] =	ssyncadd.s32 $0xFFFFFE00  }
0x6e: {  	_ =	swait.ge [sflag:s31], $0x200  }
0x6f: {  	[sflag:s31] =	ssyncset.done $0x0  }
0x70: {  	s3 =	simm.s32 $0x0;
	[sflag:s31] =	ssyncadd.s32 $0xFFFFFE00  }
0x71: {  	s4 =	simm.s32 $0x40;
	v0 =	vld [tilespmem:s3+$0x1200]  }
.LBB2_5:
0x72: {  	p0 =	sne.s32 s4, $0x7C0;
	v1 =	vld [tilespmem:s3+$0xE00];
	_ =	sdelay $0x2  }
.Ltmp2:
0x73: {  	(pc) =	sbr.rel @p0 .LBB2_5-.Ltmp2, $4  }
0x74: {  	_ = 	snop  }
0x75: {  	v1 =	vadd.f32 v0, v1  }
0x76: {  	s5 =	sshra.s32 s4, $0x2  }
0x77: {  	s4 =	sadd.s32 $0x40, s4;
	v0 =	vld [tilespmem:s5+$0x1200];
	[tilespmem:s3+$0xE00] =	vst v1;
	s3 =	smov.u32 s5  }
0x78: {  	v1 =	vld [tilespmem:s3+$0xE00];
	_ =	sdelay $0x4  }
0x79: {  	v0 =	vadd.f32 v0, v1;
	_ =	sdelay $0x1  }
0x7a: {  	s29 =	simm.s32 $0x0;
	s4 =	simm.s32 $0xE00;
	s30 =	simm.s32 $0x3;
	[tilespmem:s3+$0xE00] =	vst v0  }
0x7b: {  	[hbm4b:s2+s29] =	stream.linear.scatter [tilespmem:s4], [sflag:$0x4], $0x200, $0x38;
	[tilespmem:$0x18768] =	vst v63  }
0x7c: {  	_ =	swait.ge [sflag:s30], $0x200  }
0x7d: {  	[sflag:s30] =	ssyncset.done $0x0  }
0x7e: {  	s31 =	simm.s32 $0x4;
	[sflag:s30] =	ssyncadd.s32 $0xFFFFFE00  }
0x7f: {  	_ =	swait.ge [sflag:s31], $0x200  }
0x80: {  	[sflag:s31] =	ssyncset.done $0x0  }
0x81: {  	[sflag:s31] =	ssyncadd.s32 $0xFFFFFE00  }
0x82: {  	_ =	sfence.sel $0x180000  }
0x83: {  	[bflag:$0x0] =	sbarrier.arrive $0xFFFF  }
0x84: {  	p0 =	sne.s32 s1, $0x0;
	_ =	strace $0x90000047  }
0x85: {  	s0 =	sadd.s32 @!p0 $0x100000, s0;
	[bflag:$0x2] =	sbarrier.arrive $0xFFFF  }
0x86: {  	[sflag:s0] =	ssyncadd.tile.s32 @!p0 $0x1;
	_ =	shalt  }
.Lfunc_end2:
_tile_overlayer_lowered:
.L_overlay_start_2:
0x87: {  	(tag) =	ssettag $0x2  }
0x88: {  	s0 =	rddreg [dreg:$0x0];
	s2 =	stileid.u32  }
0x89: {  	s1 =	rddreg [dreg:$0x1];
	p0 =	sne.s32 s2, $0x0  }
0x8a: {  	s3 =	rddreg [dreg:$0x2];
	[bflag:$0x3] =	sbarrier.arrive $0xFFFF;
	s2 =	simm.s32 @!p0 $0x1C07  }
0x8b: {  	[timem:s3], [sflag:s2] =	dma.local @!p0 [hbm:s0], s1  }
0x8c: {  	s0 =	simm.s32 @!p0 $0x7  }
0x8d: {  	_ =	swait.ge @!p0 [sflag:s0], s1  }
0x8e: {  	s1 =	ssub.s32 @!p0 $0x0, s1;
	[sflag:s0] =	ssyncset.done @!p0 $0x0  }
0x8f: {  	[sflag:s0] =	ssyncadd.s32 @!p0 s1  }
0x90: {  	[bflag:$0x3] =	sbarrier.arrive $0xFFFF  }
0x91: {  	_ =	shalt  }

</sc_bundles>
